<compile_context>
chip_gen: v7x
topology: tpu7x:2x2x1
jax: 0.10.2.dev20260603
libtpu: 0.0.44.dev20260713+nightly
codegen_flags: <defaults>
</compile_context>

<pallas_src>
import functools

import jax
import jax.numpy as jnp
from jax import lax
from jax.experimental import pallas as pl
from jax.experimental.pallas import tpu as pltpu
from jax.experimental.pallas import tpu_sc as plsc

_NC = 2
_NS = 16
_NW = _NC * _NS


@functools.partial(jax.jit, static_argnums=(2, 3, 4))
def _emb_gather(x_flat, table, B, D, C):
    b_per_w = B // _NW
    n_chunks = b_per_w // C
    assert n_chunks * C == b_per_w and n_chunks >= 2
    mesh = plsc.VectorSubcoreMesh(core_axis_name="c", subcore_axis_name="s")

    @functools.partial(
        pl.kernel,
        out_type=jax.ShapeDtypeStruct((B, D), jnp.float32),
        mesh=mesh,
        scratch_types=[
            pltpu.VMEM((2, C), jnp.int32),
            pltpu.VMEM((2, C, D), jnp.float32),
            pltpu.SemaphoreType.DMA((2,)),
            pltpu.SemaphoreType.DMA((2,)),
            pltpu.SemaphoreType.DMA((2,)),
        ],
        compiler_params=pltpu.CompilerParams(use_tc_tiling_on_sc=False),
    )
    def k2(x_hbm, table_hbm, out_hbm, idx_v, rows_v, s_idx, s_g, s_st):
        wid = lax.axis_index("s") * _NC + lax.axis_index("c")
        base = wid * b_per_w

        def idx_copy(g, b):
            return pltpu.make_async_copy(
                x_hbm.at[pl.ds(base + g * C, C)], idx_v.at[b], s_idx.at[b])

        def gather_copy(b):
            return pltpu.make_async_copy(
                table_hbm.at[idx_v.at[b]], rows_v.at[b], s_g.at[b])

        def store_copy(g, b):
            return pltpu.make_async_copy(
                rows_v.at[b], out_hbm.at[pl.ds(base + g * C, C)], s_st.at[b])

        idx_copy(0, 0).start()
        idx_copy(1, 1).start()
        idx_copy(0, 0).wait()
        gather_copy(0).start()

        def body(g, carry):
            b = g % 2
            pb = 1 - b
            @pl.when(g >= 2)
            def _():
                store_copy(g, b).wait()
            idx_copy(g, b).wait()
            gather_copy(b).start()
            gather_copy(pb).wait()
            store_copy(g - 1, pb).start()

            @pl.when(g + 1 < n_chunks)
            def _():
                idx_copy(g + 1, pb).start()

            return carry

        lax.fori_loop(1, n_chunks, body, 0, unroll=2)

        lb = (n_chunks - 1) % 2
        gather_copy(lb).wait()
        store_copy(n_chunks - 1, lb).start()
        store_copy(n_chunks - 2, 1 - lb).wait()
        store_copy(n_chunks - 1, lb).wait()

    return k2(x_flat, table)


def kernel(x, table):
    B = x.shape[0] * x.shape[1]
    D = table.shape[1]
    out = _emb_gather(x.reshape(B).astype(jnp.int32), table, B, D, 1600)
    return out.reshape(x.shape[0], x.shape[1], D)

# --- scband reference (transcript-rebuilt; emitter-appended) ---
"""Pipeline reference for scband-custom-embedding-13726715478637 (READ-ONLY COPY).

The authoritative reference and input builder live on the scoring server;
editing this copy changes nothing except your own understanding.
"""

import jax, jax.numpy as jnp
import numpy as np


def setup_inputs(seed: int = 0) -> dict:
    key = jax.random.key(seed)
    k_idx, k_tab = jax.random.split(key)
    x = jax.random.randint(k_idx, (16384, 200), 0, 1000000, dtype=jnp.int64) if jax.config.jax_enable_x64 else jax.random.randint(k_idx, (16384, 200), 0, 1000000, dtype=jnp.int32)
    table = jax.random.normal(k_tab, (1000000, 32), dtype=jnp.float32)
    return {"x": x, "table": table}


def reference(x, table):
    # nn.Embedding forward: gather rows of the embedding table by index
    return jnp.take(table, x, axis=0)

if __name__ == "__main__":
    import jax
    _d = setup_inputs()
    print(jax.jit(kernel)(*tuple(_d.values())))

</pallas_src>

<mosaic_0001>
#map = affine_map<(d0, d1) -> (0)>
#map1 = affine_map<(d0, d1) -> (0, 0)>
module attributes {stable_mosaic.version = 14 : i64} {
  func.func @k2(%arg0: i32, %arg1: i32, %arg2: memref<3276800xi32, #tpu.memory_space<hbm>>, %arg3: memref<1000000x32xf32, #tpu.memory_space<hbm>>, %arg4: memref<3276800x32xf32, #tpu.memory_space<hbm>>, %arg5: memref<2x1600xi32, #tpu.memory_space<vmem>>, %arg6: memref<2x1600x32xf32, #tpu.memory_space<vmem>>, %arg7: memref<2x!tpu.dma_semaphore, #tpu.memory_space<semaphore_mem>>, %arg8: memref<2x!tpu.dma_semaphore, #tpu.memory_space<semaphore_mem>>, %arg9: memref<2x!tpu.dma_semaphore, #tpu.memory_space<semaphore_mem>>) attributes {dimension_semantics = [#tpu.dimension_semantics<core_parallel>, #tpu.dimension_semantics<subcore_parallel>], iteration_bounds = array<i64: 2, 16>, scalar_prefetch = 0 : i64, scratch_operands = 5 : i64, tpu.core_type = #tpu.core_type<sc_vector_subcore>, window_params = [{transform_indices = #map}, {transform_indices = #map1}, {transform_indices = #map1}]} {
    %mul3A = arith.constant 2 : i32
    %mul3A_0 = arith.muli %arg1, %mul3A : i32
    %add3A = arith.addi %mul3A_0, %arg0 : i32
    %mul3A_1 = arith.constant 102400 : i32
    %mul3A_2 = arith.muli %add3A, %mul3A_1 : i32
    %add3A_3 = arith.constant 0 : i32
    %add3A_4 = arith.addi %mul3A_2, %add3A_3 : i32
    %dma_start3A = arith.constant 0 : i32
    %dma_start3A_5 = arith.constant 0 : i32
    %dma_start3A_6 = arith.constant 0 : i32
    %dma_start3A_7 = tpu.memref_slice %arg5[%dma_start3A, %dma_start3A_6] : memref<2x1600xi32, #tpu.memory_space<vmem>> -> memref<1x1600xi32, #tpu.memory_space<vmem>>
    %dma_start3A_8 = tpu.memref_squeeze %dma_start3A_7 : memref<1x1600xi32, #tpu.memory_space<vmem>> -> memref<1600xi32, #tpu.memory_space<vmem>>
    %dma_start3A_9 = tpu.memref_slice %arg2[%add3A_4] : memref<3276800xi32, #tpu.memory_space<hbm>> -> memref<1600xi32, #tpu.memory_space<hbm>>
    %dma_start3A_10 = tpu.memref_slice %arg7[%dma_start3A_5] : memref<2x!tpu.dma_semaphore, #tpu.memory_space<semaphore_mem>> -> memref<1x!tpu.dma_semaphore, #tpu.memory_space<semaphore_mem>>
    %dma_start3A_11 = tpu.memref_squeeze %dma_start3A_10 : memref<1x!tpu.dma_semaphore, #tpu.memory_space<semaphore_mem>> -> memref<!tpu.dma_semaphore, #tpu.memory_space<semaphore_mem>>
    %dma_start3A_12 = arith.constant 0 : i32
    %dma_start3A_13 = tpu.memref_slice %arg5[%dma_start3A, %dma_start3A_12] : memref<2x1600xi32, #tpu.memory_space<vmem>> -> memref<1x1600xi32, #tpu.memory_space<vmem>>
    %dma_start3A_14 = tpu.memref_squeeze %dma_start3A_13 : memref<1x1600xi32, #tpu.memory_space<vmem>> -> memref<1600xi32, #tpu.memory_space<vmem>>
    %dma_start3A_15 = tpu.memref_slice %arg2[%add3A_4] : memref<3276800xi32, #tpu.memory_space<hbm>> -> memref<1600xi32, #tpu.memory_space<hbm>>
    tpu.enqueue_dma source(%dma_start3A_15 : memref<1600xi32, #tpu.memory_space<hbm>>) target(%dma_start3A_14 : memref<1600xi32, #tpu.memory_space<vmem>>) target_semaphore(%dma_start3A_11 : memref<!tpu.dma_semaphore, #tpu.memory_space<semaphore_mem>>)
    %add3A_16 = arith.constant 1600 : i32
    %add3A_17 = arith.addi %mul3A_2, %add3A_16 : i32
    %dma_start3A_18 = arith.constant 1 : i32
    %dma_start3A_19 = arith.constant 1 : i32
    %dma_start3A_20 = arith.constant 0 : i32
    %dma_start3A_21 = tpu.memref_slice %arg5[%dma_start3A_18, %dma_start3A_20] : memref<2x1600xi32, #tpu.memory_space<vmem>> -> memref<1x1600xi32, #tpu.memory_space<vmem>>
    %dma_start3A_22 = tpu.memref_squeeze %dma_start3A_21 : memref<1x1600xi32, #tpu.memory_space<vmem>> -> memref<1600xi32, #tpu.memory_space<vmem>>
    %dma_start3A_23 = tpu.memref_slice %arg2[%add3A_17] : memref<3276800xi32, #tpu.memory_space<hbm>> -> memref<1600xi32, #tpu.memory_space<hbm>>
    %dma_start3A_24 = tpu.memref_slice %arg7[%dma_start3A_19] : memref<2x!tpu.dma_semaphore, #tpu.memory_space<semaphore_mem>> -> memref<1x!tpu.dma_semaphore, #tpu.memory_space<semaphore_mem>>
    %dma_start3A_25 = tpu.memref_squeeze %dma_start3A_24 : memref<1x!tpu.dma_semaphore, #tpu.memory_space<semaphore_mem>> -> memref<!tpu.dma_semaphore, #tpu.memory_space<semaphore_mem>>
    %dma_start3A_26 = arith.constant 0 : i32
    %dma_start3A_27 = tpu.memref_slice %arg5[%dma_start3A_18, %dma_start3A_26] : memref<2x1600xi32, #tpu.memory_space<vmem>> -> memref<1x1600xi32, #tpu.memory_space<vmem>>
    %dma_start3A_28 = tpu.memref_squeeze %dma_start3A_27 : memref<1x1600xi32, #tpu.memory_space<vmem>> -> memref<1600xi32, #tpu.memory_space<vmem>>
    %dma_start3A_29 = tpu.memref_slice %arg2[%add3A_17] : memref<3276800xi32, #tpu.memory_space<hbm>> -> memref<1600xi32, #tpu.memory_space<hbm>>
    tpu.enqueue_dma source(%dma_start3A_29 : memref<1600xi32, #tpu.memory_space<hbm>>) target(%dma_start3A_28 : memref<1600xi32, #tpu.memory_space<vmem>>) target_semaphore(%dma_start3A_25 : memref<!tpu.dma_semaphore, #tpu.memory_space<semaphore_mem>>)
    %add3A_30 = arith.constant 0 : i32
    %add3A_31 = arith.addi %mul3A_2, %add3A_30 : i32
    %dma_wait3A = arith.constant 0 : i32
    %dma_wait3A_32 = arith.constant 0 : i32
    %dma_wait3A_33 = arith.constant 0 : i32
    %dma_wait3A_34 = tpu.memref_slice %arg5[%dma_wait3A, %dma_wait3A_33] : memref<2x1600xi32, #tpu.memory_space<vmem>> -> memref<1x1600xi32, #tpu.memory_space<vmem>>
    %dma_wait3A_35 = tpu.memref_squeeze %dma_wait3A_34 : memref<1x1600xi32, #tpu.memory_space<vmem>> -> memref<1600xi32, #tpu.memory_space<vmem>>
    %dma_wait3A_36 = tpu.memref_slice %arg2[%add3A_31] : memref<3276800xi32, #tpu.memory_space<hbm>> -> memref<1600xi32, #tpu.memory_space<hbm>>
    %dma_wait3A_37 = tpu.memref_slice %arg7[%dma_wait3A_32] : memref<2x!tpu.dma_semaphore, #tpu.memory_space<semaphore_mem>> -> memref<1x!tpu.dma_semaphore, #tpu.memory_space<semaphore_mem>>
    %dma_wait3A_38 = tpu.memref_squeeze %dma_wait3A_37 : memref<1x!tpu.dma_semaphore, #tpu.memory_space<semaphore_mem>> -> memref<!tpu.dma_semaphore, #tpu.memory_space<semaphore_mem>>
    %dma_wait3A_39 = arith.constant 0 : i32
    %dma_wait3A_40 = tpu.memref_slice %arg5[%dma_wait3A, %dma_wait3A_39] : memref<2x1600xi32, #tpu.memory_space<vmem>> -> memref<1x1600xi32, #tpu.memory_space<vmem>>
    %dma_wait3A_41 = tpu.memref_squeeze %dma_wait3A_40 : memref<1x1600xi32, #tpu.memory_space<vmem>> -> memref<1600xi32, #tpu.memory_space<vmem>>
    %dma_wait3A_42 = tpu.memref_slice %arg2[%add3A_31] : memref<3276800xi32, #tpu.memory_space<hbm>> -> memref<1600xi32, #tpu.memory_space<hbm>>
    tpu.wait_dma2 semaphore(%dma_wait3A_38 : memref<!tpu.dma_semaphore, #tpu.memory_space<semaphore_mem>>) src(%dma_wait3A_42 : memref<1600xi32, #tpu.memory_space<hbm>>) dst(%dma_wait3A_41 : memref<1600xi32, #tpu.memory_space<vmem>>)
    %dma_start3A_43 = arith.constant 0 : i32
    %dma_start3A_44 = arith.constant 0 : i32
    %dma_start3A_45 = arith.constant 0 : i32
    %dma_start3A_46 = arith.constant 0 : i32
    %dma_start3A_47 = arith.constant 0 : i32
    %dma_start3A_48 = tpu.memref_slice %arg6[%dma_start3A_44, %dma_start3A_46, %dma_start3A_47] : memref<2x1600x32xf32, #tpu.memory_space<vmem>> -> memref<1x1600x32xf32, #tpu.memory_space<vmem>>
    %dma_start3A_49 = tpu.memref_squeeze %dma_start3A_48 : memref<1x1600x32xf32, #tpu.memory_space<vmem>> -> memref<1600x32xf32, #tpu.memory_space<vmem>>
    %dma_start3A_50 = arith.constant 0 : i32
    %dma_start3A_51 = tpu.memref_slice %arg5[%dma_start3A_43, %dma_start3A_50] : memref<2x1600xi32, #tpu.memory_space<vmem>> -> memref<1x1600xi32, #tpu.memory_space<vmem>>
    %dma_start3A_52 = tpu.memref_squeeze %dma_start3A_51 : memref<1x1600xi32, #tpu.memory_space<vmem>> -> memref<1600xi32, #tpu.memory_space<vmem>>
    %dma_start3A_53 = arith.constant 0 : i32
    %dma_start3A_54 = arith.constant 0 : i32
    %dma_start3A_55 = tpu.memref_slice %arg3[%dma_start3A_53, %dma_start3A_54] : memref<1000000x32xf32, #tpu.memory_space<hbm>> -> memref<1000000x32xf32, #tpu.memory_space<hbm>>
    %dma_start3A_56 = tpu.memref_slice %arg8[%dma_start3A_45] : memref<2x!tpu.dma_semaphore, #tpu.memory_space<semaphore_mem>> -> memref<1x!tpu.dma_semaphore, #tpu.memory_space<semaphore_mem>>
    %dma_start3A_57 = tpu.memref_squeeze %dma_start3A_56 : memref<1x!tpu.dma_semaphore, #tpu.memory_space<semaphore_mem>> -> memref<!tpu.dma_semaphore, #tpu.memory_space<semaphore_mem>>
    tpu.enqueue_indirect_dma source(%dma_start3A_55 : memref<1000000x32xf32, #tpu.memory_space<hbm>>) target(%dma_start3A_49 : memref<1600x32xf32, #tpu.memory_space<vmem>>) offsets(%dma_start3A_52 : memref<1600xi32, #tpu.memory_space<vmem>>) semaphore(%dma_start3A_57 : memref<!tpu.dma_semaphore, #tpu.memory_space<semaphore_mem>>)
    %scan3A = arith.constant 0 : i32
    %scan3A_58 = arith.constant 1 : i32
    %scan3A_59 = arith.constant 62 : i32
    %scan3A_60 = arith.addi %scan3A_58, %scan3A_59 : i32
    %scan3A_61 = arith.constant 2 : i32
    scf.for %scan3A_209 = %scan3A_58 to %scan3A_60 step %scan3A_61  : i32 {
      %jit3A_210 = arith.constant 2 : i32
      %eq3A_211 = arith.constant 0 : i32
      %eq3A_212 = arith.cmpi eq, %jit3A_210, %eq3A_211 : i32
      %jit3A_213 = arith.constant 1 : i32
      %select_n3A_214 = arith.select %eq3A_212, %jit3A_213, %jit3A_210 : i32
      %rem3A_215 = arith.remsi %scan3A_209, %select_n3A_214 : i32
      %ne3A_216 = arith.constant 0 : i32
      %ne3A_217 = arith.cmpi ne, %rem3A_215, %ne3A_216 : i32
      %lt3A_218 = arith.constant 0 : i32
      %lt3A_219 = arith.cmpi slt, %rem3A_215, %lt3A_218 : i32
      %lt3A_220 = arith.constant 0 : i32
      %lt3A_221 = arith.cmpi slt, %select_n3A_214, %lt3A_220 : i32
      %ne3A_222 = arith.xori %lt3A_219, %lt3A_221 : i1
      %and3A_223 = arith.andi %ne3A_222, %ne3A_217 : i1
      %add3A_224 = arith.addi %rem3A_215, %select_n3A_214 : i32
      %select_n3A_225 = arith.select %and3A_223, %add3A_224, %rem3A_215 : i32
      %sub3A_226 = arith.constant 1 : i32
      %sub3A_227 = arith.subi %sub3A_226, %select_n3A_225 : i32
      %ge3A_228 = arith.constant 2 : i32
      %ge3A_229 = arith.cmpi sge, %scan3A_209, %ge3A_228 : i32
      %convert_element_type3A_230 = arith.extui %ge3A_229 : i1 to i32
      %cond3A_231 = arith.constant 0 : i32
      %cond3A_232 = arith.cmpi ne, %convert_element_type3A_230, %cond3A_231 : i32
      scf.if %cond3A_232 {
        %mul3A_384 = arith.constant 1600 : i32
        %mul3A_385 = arith.muli %scan3A_209, %mul3A_384 : i32
        %add3A_386 = arith.addi %mul3A_2, %mul3A_385 : i32
        %dma_wait3A_387 = arith.constant 0 : i32
        %dma_wait3A_388 = arith.constant 0 : i32
        %dma_wait3A_389 = tpu.memref_slice %arg6[%select_n3A_225, %dma_wait3A_387, %dma_wait3A_388] : memref<2x1600x32xf32, #tpu.memory_space<vmem>> -> memref<1x1600x32xf32, #tpu.memory_space<vmem>>
        %dma_wait3A_390 = tpu.memref_squeeze %dma_wait3A_389 : memref<1x1600x32xf32, #tpu.memory_space<vmem>> -> memref<1600x32xf32, #tpu.memory_space<vmem>>
        %dma_wait3A_391 = arith.constant 0 : i32
        %dma_wait3A_392 = tpu.memref_slice %arg4[%add3A_386, %dma_wait3A_391] : memref<3276800x32xf32, #tpu.memory_space<hbm>> -> memref<1600x32xf32, #tpu.memory_space<hbm>>
        %dma_wait3A_393 = tpu.memref_slice %arg9[%select_n3A_225] : memref<2x!tpu.dma_semaphore, #tpu.memory_space<semaphore_mem>> -> memref<1x!tpu.dma_semaphore, #tpu.memory_space<semaphore_mem>>
        %dma_wait3A_394 = tpu.memref_squeeze %dma_wait3A_393 : memref<1x!tpu.dma_semaphore, #tpu.memory_space<semaphore_mem>> -> memref<!tpu.dma_semaphore, #tpu.memory_space<semaphore_mem>>
        %dma_wait3A_395 = arith.constant 0 : i32
        %dma_wait3A_396 = tpu.memref_slice %arg4[%add3A_386, %dma_wait3A_395] : memref<3276800x32xf32, #tpu.memory_space<hbm>> -> memref<1600x32xf32, #tpu.memory_space<hbm>>
        %dma_wait3A_397 = arith.constant 0 : i32
        %dma_wait3A_398 = arith.constant 0 : i32
        %dma_wait3A_399 = tpu.memref_slice %arg6[%select_n3A_225, %dma_wait3A_397, %dma_wait3A_398] : memref<2x1600x32xf32, #tpu.memory_space<vmem>> -> memref<1x1600x32xf32, #tpu.memory_space<vmem>>
        %dma_wait3A_400 = tpu.memref_squeeze %dma_wait3A_399 : memref<1x1600x32xf32, #tpu.memory_space<vmem>> -> memref<1600x32xf32, #tpu.memory_space<vmem>>
        tpu.wait_dma2 semaphore(%dma_wait3A_394 : memref<!tpu.dma_semaphore, #tpu.memory_space<semaphore_mem>>) src(%dma_wait3A_400 : memref<1600x32xf32, #tpu.memory_space<vmem>>) dst(%dma_wait3A_396 : memref<1600x32xf32, #tpu.memory_space<hbm>>)
      } else {
      }
      %mul3A_233 = arith.constant 1600 : i32
      %mul3A_234 = arith.muli %scan3A_209, %mul3A_233 : i32
      %add3A_235 = arith.addi %mul3A_2, %mul3A_234 : i32
      %dma_wait3A_236 = arith.constant 0 : i32
      %dma_wait3A_237 = tpu.memref_slice %arg5[%select_n3A_225, %dma_wait3A_236] : memref<2x1600xi32, #tpu.memory_space<vmem>> -> memref<1x1600xi32, #tpu.memory_space<vmem>>
      %dma_wait3A_238 = tpu.memref_squeeze %dma_wait3A_237 : memref<1x1600xi32, #tpu.memory_space<vmem>> -> memref<1600xi32, #tpu.memory_space<vmem>>
      %dma_wait3A_239 = tpu.memref_slice %arg2[%add3A_235] : memref<3276800xi32, #tpu.memory_space<hbm>> -> memref<1600xi32, #tpu.memory_space<hbm>>
      %dma_wait3A_240 = tpu.memref_slice %arg7[%select_n3A_225] : memref<2x!tpu.dma_semaphore, #tpu.memory_space<semaphore_mem>> -> memref<1x!tpu.dma_semaphore, #tpu.memory_space<semaphore_mem>>
      %dma_wait3A_241 = tpu.memref_squeeze %dma_wait3A_240 : memref<1x!tpu.dma_semaphore, #tpu.memory_space<semaphore_mem>> -> memref<!tpu.dma_semaphore, #tpu.memory_space<semaphore_mem>>
      %dma_wait3A_242 = arith.constant 0 : i32
      %dma_wait3A_243 = tpu.memref_slice %arg5[%select_n3A_225, %dma_wait3A_242] : memref<2x1600xi32, #tpu.memory_space<vmem>> -> memref<1x1600xi32, #tpu.memory_space<vmem>>
      %dma_wait3A_244 = tpu.memref_squeeze %dma_wait3A_243 : memref<1x1600xi32, #tpu.memory_space<vmem>> -> memref<1600xi32, #tpu.memory_space<vmem>>
      %dma_wait3A_245 = tpu.memref_slice %arg2[%add3A_235] : memref<3276800xi32, #tpu.memory_space<hbm>> -> memref<1600xi32, #tpu.memory_space<hbm>>
      tpu.wait_dma2 semaphore(%dma_wait3A_241 : memref<!tpu.dma_semaphore, #tpu.memory_space<semaphore_mem>>) src(%dma_wait3A_245 : memref<1600xi32, #tpu.memory_space<hbm>>) dst(%dma_wait3A_244 : memref<1600xi32, #tpu.memory_space<vmem>>)
      %dma_start3A_246 = arith.constant 0 : i32
      %dma_start3A_247 = arith.constant 0 : i32
      %dma_start3A_248 = tpu.memref_slice %arg6[%select_n3A_225, %dma_start3A_246, %dma_start3A_247] : memref<2x1600x32xf32, #tpu.memory_space<vmem>> -> memref<1x1600x32xf32, #tpu.memory_space<vmem>>
      %dma_start3A_249 = tpu.memref_squeeze %dma_start3A_248 : memref<1x1600x32xf32, #tpu.memory_space<vmem>> -> memref<1600x32xf32, #tpu.memory_space<vmem>>
      %dma_start3A_250 = arith.constant 0 : i32
      %dma_start3A_251 = tpu.memref_slice %arg5[%select_n3A_225, %dma_start3A_250] : memref<2x1600xi32, #tpu.memory_space<vmem>> -> memref<1x1600xi32, #tpu.memory_space<vmem>>
      %dma_start3A_252 = tpu.memref_squeeze %dma_start3A_251 : memref<1x1600xi32, #tpu.memory_space<vmem>> -> memref<1600xi32, #tpu.memory_space<vmem>>
      %dma_start3A_253 = arith.constant 0 : i32
      %dma_start3A_254 = arith.constant 0 : i32
      %dma_start3A_255 = tpu.memref_slice %arg3[%dma_start3A_253, %dma_start3A_254] : memref<1000000x32xf32, #tpu.memory_space<hbm>> -> memref<1000000x32xf32, #tpu.memory_space<hbm>>
      %dma_start3A_256 = tpu.memref_slice %arg8[%select_n3A_225] : memref<2x!tpu.dma_semaphore, #tpu.memory_space<semaphore_mem>> -> memref<1x!tpu.dma_semaphore, #tpu.memory_space<semaphore_mem>>
      %dma_start3A_257 = tpu.memref_squeeze %dma_start3A_256 : memref<1x!tpu.dma_semaphore, #tpu.memory_space<semaphore_mem>> -> memref<!tpu.dma_semaphore, #tpu.memory_space<semaphore_mem>>
      tpu.enqueue_indirect_dma source(%dma_start3A_255 : memref<1000000x32xf32, #tpu.memory_space<hbm>>) target(%dma_start3A_249 : memref<1600x32xf32, #tpu.memory_space<vmem>>) offsets(%dma_start3A_252 : memref<1600xi32, #tpu.memory_space<vmem>>) semaphore(%dma_start3A_257 : memref<!tpu.dma_semaphore, #tpu.memory_space<semaphore_mem>>)
      %dma_wait3A_258 = arith.constant 0 : i32
      %dma_wait3A_259 = arith.constant 0 : i32
      %dma_wait3A_260 = tpu.memref_slice %arg6[%sub3A_227, %dma_wait3A_258, %dma_wait3A_259] : memref<2x1600x32xf32, #tpu.memory_space<vmem>> -> memref<1x1600x32xf32, #tpu.memory_space<vmem>>
      %dma_wait3A_261 = tpu.memref_squeeze %dma_wait3A_260 : memref<1x1600x32xf32, #tpu.memory_space<vmem>> -> memref<1600x32xf32, #tpu.memory_space<vmem>>
      %dma_wait3A_262 = arith.constant 0 : i32
      %dma_wait3A_263 = tpu.memref_slice %arg5[%sub3A_227, %dma_wait3A_262] : memref<2x1600xi32, #tpu.memory_space<vmem>> -> memref<1x1600xi32, #tpu.memory_space<vmem>>
      %dma_wait3A_264 = tpu.memref_squeeze %dma_wait3A_263 : memref<1x1600xi32, #tpu.memory_space<vmem>> -> memref<1600xi32, #tpu.memory_space<vmem>>
      %dma_wait3A_265 = arith.constant 0 : i32
      %dma_wait3A_266 = arith.constant 0 : i32
      %dma_wait3A_267 = tpu.memref_slice %arg3[%dma_wait3A_265, %dma_wait3A_266] : memref<1000000x32xf32, #tpu.memory_space<hbm>> -> memref<1000000x32xf32, #tpu.memory_space<hbm>>
      %dma_wait3A_268 = tpu.memref_slice %arg8[%sub3A_227] : memref<2x!tpu.dma_semaphore, #tpu.memory_space<semaphore_mem>> -> memref<1x!tpu.dma_semaphore, #tpu.memory_space<semaphore_mem>>
      %dma_wait3A_269 = tpu.memref_squeeze %dma_wait3A_268 : memref<1x!tpu.dma_semaphore, #tpu.memory_space<semaphore_mem>> -> memref<!tpu.dma_semaphore, #tpu.memory_space<semaphore_mem>>
      tpu.wait_indirect_dma semaphore(%dma_wait3A_269 : memref<!tpu.dma_semaphore, #tpu.memory_space<semaphore_mem>>) src(%dma_wait3A_267 : memref<1000000x32xf32, #tpu.memory_space<hbm>>) dst(%dma_wait3A_261 : memref<1600x32xf32, #tpu.memory_space<vmem>>)
      %sub3A_270 = arith.constant 1 : i32
      %sub3A_271 = arith.subi %scan3A_209, %sub3A_270 : i32
      %mul3A_272 = arith.constant 1600 : i32
      %mul3A_273 = arith.muli %sub3A_271, %mul3A_272 : i32
      %add3A_274 = arith.addi %mul3A_2, %mul3A_273 : i32
      %dma_start3A_275 = arith.constant 0 : i32
      %dma_start3A_276 = arith.constant 0 : i32
      %dma_start3A_277 = tpu.memref_slice %arg6[%sub3A_227, %dma_start3A_275, %dma_start3A_276] : memref<2x1600x32xf32, #tpu.memory_space<vmem>> -> memref<1x1600x32xf32, #tpu.memory_space<vmem>>
      %dma_start3A_278 = tpu.memref_squeeze %dma_start3A_277 : memref<1x1600x32xf32, #tpu.memory_space<vmem>> -> memref<1600x32xf32, #tpu.memory_space<vmem>>
      %dma_start3A_279 = arith.constant 0 : i32
      %dma_start3A_280 = tpu.memref_slice %arg4[%add3A_274, %dma_start3A_279] : memref<3276800x32xf32, #tpu.memory_space<hbm>> -> memref<1600x32xf32, #tpu.memory_space<hbm>>
      %dma_start3A_281 = tpu.memref_slice %arg9[%sub3A_227] : memref<2x!tpu.dma_semaphore, #tpu.memory_space<semaphore_mem>> -> memref<1x!tpu.dma_semaphore, #tpu.memory_space<semaphore_mem>>
      %dma_start3A_282 = tpu.memref_squeeze %dma_start3A_281 : memref<1x!tpu.dma_semaphore, #tpu.memory_space<semaphore_mem>> -> memref<!tpu.dma_semaphore, #tpu.memory_space<semaphore_mem>>
      %dma_start3A_283 = arith.constant 0 : i32
      %dma_start3A_284 = tpu.memref_slice %arg4[%add3A_274, %dma_start3A_283] : memref<3276800x32xf32, #tpu.memory_space<hbm>> -> memref<1600x32xf32, #tpu.memory_space<hbm>>
      %dma_start3A_285 = arith.constant 0 : i32
      %dma_start3A_286 = arith.constant 0 : i32
      %dma_start3A_287 = tpu.memref_slice %arg6[%sub3A_227, %dma_start3A_285, %dma_start3A_286] : memref<2x1600x32xf32, #tpu.memory_space<vmem>> -> memref<1x1600x32xf32, #tpu.memory_space<vmem>>
      %dma_start3A_288 = tpu.memref_squeeze %dma_start3A_287 : memref<1x1600x32xf32, #tpu.memory_space<vmem>> -> memref<1600x32xf32, #tpu.memory_space<vmem>>
      tpu.enqueue_dma source(%dma_start3A_288 : memref<1600x32xf32, #tpu.memory_space<vmem>>) target(%dma_start3A_284 : memref<1600x32xf32, #tpu.memory_space<hbm>>) target_semaphore(%dma_start3A_282 : memref<!tpu.dma_semaphore, #tpu.memory_space<semaphore_mem>>)
      %add3A_289 = arith.constant 1 : i32
      %add3A_290 = arith.addi %scan3A_209, %add3A_289 : i32
      %lt3A_291 = arith.constant 64 : i32
      %lt3A_292 = arith.cmpi slt, %add3A_290, %lt3A_291 : i32
      %convert_element_type3A_293 = arith.extui %lt3A_292 : i1 to i32
      %cond3A_294 = arith.constant 0 : i32
      %cond3A_295 = arith.cmpi ne, %convert_element_type3A_293, %cond3A_294 : i32
      scf.if %cond3A_295 {
        %add3A_384 = arith.constant 1 : i32
        %add3A_385 = arith.addi %scan3A_209, %add3A_384 : i32
        %mul3A_386 = arith.constant 1600 : i32
        %mul3A_387 = arith.muli %add3A_385, %mul3A_386 : i32
        %add3A_388 = arith.addi %mul3A_2, %mul3A_387 : i32
        %dma_start3A_389 = arith.constant 0 : i32
        %dma_start3A_390 = tpu.memref_slice %arg5[%sub3A_227, %dma_start3A_389] : memref<2x1600xi32, #tpu.memory_space<vmem>> -> memref<1x1600xi32, #tpu.memory_space<vmem>>
        %dma_start3A_391 = tpu.memref_squeeze %dma_start3A_390 : memref<1x1600xi32, #tpu.memory_space<vmem>> -> memref<1600xi32, #tpu.memory_space<vmem>>
        %dma_start3A_392 = tpu.memref_slice %arg2[%add3A_388] : memref<3276800xi32, #tpu.memory_space<hbm>> -> memref<1600xi32, #tpu.memory_space<hbm>>
        %dma_start3A_393 = tpu.memref_slice %arg7[%sub3A_227] : memref<2x!tpu.dma_semaphore, #tpu.memory_space<semaphore_mem>> -> memref<1x!tpu.dma_semaphore, #tpu.memory_space<semaphore_mem>>
        %dma_start3A_394 = tpu.memref_squeeze %dma_start3A_393 : memref<1x!tpu.dma_semaphore, #tpu.memory_space<semaphore_mem>> -> memref<!tpu.dma_semaphore, #tpu.memory_space<semaphore_mem>>
        %dma_start3A_395 = arith.constant 0 : i32
        %dma_start3A_396 = tpu.memref_slice %arg5[%sub3A_227, %dma_start3A_395] : memref<2x1600xi32, #tpu.memory_space<vmem>> -> memref<1x1600xi32, #tpu.memory_space<vmem>>
        %dma_start3A_397 = tpu.memref_squeeze %dma_start3A_396 : memref<1x1600xi32, #tpu.memory_space<vmem>> -> memref<1600xi32, #tpu.memory_space<vmem>>
        %dma_start3A_398 = tpu.memref_slice %arg2[%add3A_388] : memref<3276800xi32, #tpu.memory_space<hbm>> -> memref<1600xi32, #tpu.memory_space<hbm>>
        tpu.enqueue_dma source(%dma_start3A_398 : memref<1600xi32, #tpu.memory_space<hbm>>) target(%dma_start3A_397 : memref<1600xi32, #tpu.memory_space<vmem>>) target_semaphore(%dma_start3A_394 : memref<!tpu.dma_semaphore, #tpu.memory_space<semaphore_mem>>)
      } else {
      }
      %scan3A_296 = arith.constant 1 : i32
      %scan3A_297 = arith.addi %scan3A_209, %scan3A_296 : i32
      %jit3A_298 = arith.constant 2 : i32
      %eq3A_299 = arith.constant 0 : i32
      %eq3A_300 = arith.cmpi eq, %jit3A_298, %eq3A_299 : i32
      %jit3A_301 = arith.constant 1 : i32
      %select_n3A_302 = arith.select %eq3A_300, %jit3A_301, %jit3A_298 : i32
      %rem3A_303 = arith.remsi %scan3A_297, %select_n3A_302 : i32
      %ne3A_304 = arith.constant 0 : i32
      %ne3A_305 = arith.cmpi ne, %rem3A_303, %ne3A_304 : i32
      %lt3A_306 = arith.constant 0 : i32
      %lt3A_307 = arith.cmpi slt, %rem3A_303, %lt3A_306 : i32
      %lt3A_308 = arith.constant 0 : i32
      %lt3A_309 = arith.cmpi slt, %select_n3A_302, %lt3A_308 : i32
      %ne3A_310 = arith.xori %lt3A_307, %lt3A_309 : i1
      %and3A_311 = arith.andi %ne3A_310, %ne3A_305 : i1
      %add3A_312 = arith.addi %rem3A_303, %select_n3A_302 : i32
      %select_n3A_313 = arith.select %and3A_311, %add3A_312, %rem3A_303 : i32
      %sub3A_314 = arith.constant 1 : i32
      %sub3A_315 = arith.subi %sub3A_314, %select_n3A_313 : i32
      %ge3A_316 = arith.constant 2 : i32
      %ge3A_317 = arith.cmpi sge, %scan3A_297, %ge3A_316 : i32
      %convert_element_type3A_318 = arith.extui %ge3A_317 : i1 to i32
      %cond3A_319 = arith.constant 0 : i32
      %cond3A_320 = arith.cmpi ne, %convert_element_type3A_318, %cond3A_319 : i32
      scf.if %cond3A_320 {
        %mul3A_384 = arith.constant 1600 : i32
        %mul3A_385 = arith.muli %scan3A_297, %mul3A_384 : i32
        %add3A_386 = arith.addi %mul3A_2, %mul3A_385 : i32
        %dma_wait3A_387 = arith.constant 0 : i32
        %dma_wait3A_388 = arith.constant 0 : i32
        %dma_wait3A_389 = tpu.memref_slice %arg6[%select_n3A_313, %dma_wait3A_387, %dma_wait3A_388] : memref<2x1600x32xf32, #tpu.memory_space<vmem>> -> memref<1x1600x32xf32, #tpu.memory_space<vmem>>
        %dma_wait3A_390 = tpu.memref_squeeze %dma_wait3A_389 : memref<1x1600x32xf32, #tpu.memory_space<vmem>> -> memref<1600x32xf32, #tpu.memory_space<vmem>>
        %dma_wait3A_391 = arith.constant 0 : i32
        %dma_wait3A_392 = tpu.memref_slice %arg4[%add3A_386, %dma_wait3A_391] : memref<3276800x32xf32, #tpu.memory_space<hbm>> -> memref<1600x32xf32, #tpu.memory_space<hbm>>
        %dma_wait3A_393 = tpu.memref_slice %arg9[%select_n3A_313] : memref<2x!tpu.dma_semaphore, #tpu.memory_space<semaphore_mem>> -> memref<1x!tpu.dma_semaphore, #tpu.memory_space<semaphore_mem>>
        %dma_wait3A_394 = tpu.memref_squeeze %dma_wait3A_393 : memref<1x!tpu.dma_semaphore, #tpu.memory_space<semaphore_mem>> -> memref<!tpu.dma_semaphore, #tpu.memory_space<semaphore_mem>>
        %dma_wait3A_395 = arith.constant 0 : i32
        %dma_wait3A_396 = tpu.memref_slice %arg4[%add3A_386, %dma_wait3A_395] : memref<3276800x32xf32, #tpu.memory_space<hbm>> -> memref<1600x32xf32, #tpu.memory_space<hbm>>
        %dma_wait3A_397 = arith.constant 0 : i32
        %dma_wait3A_398 = arith.constant 0 : i32
        %dma_wait3A_399 = tpu.memref_slice %arg6[%select_n3A_313, %dma_wait3A_397, %dma_wait3A_398] : memref<2x1600x32xf32, #tpu.memory_space<vmem>> -> memref<1x1600x32xf32, #tpu.memory_space<vmem>>
        %dma_wait3A_400 = tpu.memref_squeeze %dma_wait3A_399 : memref<1x1600x32xf32, #tpu.memory_space<vmem>> -> memref<1600x32xf32, #tpu.memory_space<vmem>>
        tpu.wait_dma2 semaphore(%dma_wait3A_394 : memref<!tpu.dma_semaphore, #tpu.memory_space<semaphore_mem>>) src(%dma_wait3A_400 : memref<1600x32xf32, #tpu.memory_space<vmem>>) dst(%dma_wait3A_396 : memref<1600x32xf32, #tpu.memory_space<hbm>>)
      } else {
      }
      %mul3A_321 = arith.constant 1600 : i32
      %mul3A_322 = arith.muli %scan3A_297, %mul3A_321 : i32
      %add3A_323 = arith.addi %mul3A_2, %mul3A_322 : i32
      %dma_wait3A_324 = arith.constant 0 : i32
      %dma_wait3A_325 = tpu.memref_slice %arg5[%select_n3A_313, %dma_wait3A_324] : memref<2x1600xi32, #tpu.memory_space<vmem>> -> memref<1x1600xi32, #tpu.memory_space<vmem>>
      %dma_wait3A_326 = tpu.memref_squeeze %dma_wait3A_325 : memref<1x1600xi32, #tpu.memory_space<vmem>> -> memref<1600xi32, #tpu.memory_space<vmem>>
      %dma_wait3A_327 = tpu.memref_slice %arg2[%add3A_323] : memref<3276800xi32, #tpu.memory_space<hbm>> -> memref<1600xi32, #tpu.memory_space<hbm>>
      %dma_wait3A_328 = tpu.memref_slice %arg7[%select_n3A_313] : memref<2x!tpu.dma_semaphore, #tpu.memory_space<semaphore_mem>> -> memref<1x!tpu.dma_semaphore, #tpu.memory_space<semaphore_mem>>
      %dma_wait3A_329 = tpu.memref_squeeze %dma_wait3A_328 : memref<1x!tpu.dma_semaphore, #tpu.memory_space<semaphore_mem>> -> memref<!tpu.dma_semaphore, #tpu.memory_space<semaphore_mem>>
      %dma_wait3A_330 = arith.constant 0 : i32
      %dma_wait3A_331 = tpu.memref_slice %arg5[%select_n3A_313, %dma_wait3A_330] : memref<2x1600xi32, #tpu.memory_space<vmem>> -> memref<1x1600xi32, #tpu.memory_space<vmem>>
      %dma_wait3A_332 = tpu.memref_squeeze %dma_wait3A_331 : memref<1x1600xi32, #tpu.memory_space<vmem>> -> memref<1600xi32, #tpu.memory_space<vmem>>
      %dma_wait3A_333 = tpu.memref_slice %arg2[%add3A_323] : memref<3276800xi32, #tpu.memory_space<hbm>> -> memref<1600xi32, #tpu.memory_space<hbm>>
      tpu.wait_dma2 semaphore(%dma_wait3A_329 : memref<!tpu.dma_semaphore, #tpu.memory_space<semaphore_mem>>) src(%dma_wait3A_333 : memref<1600xi32, #tpu.memory_space<hbm>>) dst(%dma_wait3A_332 : memref<1600xi32, #tpu.memory_space<vmem>>)
      %dma_start3A_334 = arith.constant 0 : i32
      %dma_start3A_335 = arith.constant 0 : i32
      %dma_start3A_336 = tpu.memref_slice %arg6[%select_n3A_313, %dma_start3A_334, %dma_start3A_335] : memref<2x1600x32xf32, #tpu.memory_space<vmem>> -> memref<1x1600x32xf32, #tpu.memory_space<vmem>>
      %dma_start3A_337 = tpu.memref_squeeze %dma_start3A_336 : memref<1x1600x32xf32, #tpu.memory_space<vmem>> -> memref<1600x32xf32, #tpu.memory_space<vmem>>
      %dma_start3A_338 = arith.constant 0 : i32
      %dma_start3A_339 = tpu.memref_slice %arg5[%select_n3A_313, %dma_start3A_338] : memref<2x1600xi32, #tpu.memory_space<vmem>> -> memref<1x1600xi32, #tpu.memory_space<vmem>>
      %dma_start3A_340 = tpu.memref_squeeze %dma_start3A_339 : memref<1x1600xi32, #tpu.memory_space<vmem>> -> memref<1600xi32, #tpu.memory_space<vmem>>
      %dma_start3A_341 = arith.constant 0 : i32
      %dma_start3A_342 = arith.constant 0 : i32
      %dma_start3A_343 = tpu.memref_slice %arg3[%dma_start3A_341, %dma_start3A_342] : memref<1000000x32xf32, #tpu.memory_space<hbm>> -> memref<1000000x32xf32, #tpu.memory_space<hbm>>
      %dma_start3A_344 = tpu.memref_slice %arg8[%select_n3A_313] : memref<2x!tpu.dma_semaphore, #tpu.memory_space<semaphore_mem>> -> memref<1x!tpu.dma_semaphore, #tpu.memory_space<semaphore_mem>>
      %dma_start3A_345 = tpu.memref_squeeze %dma_start3A_344 : memref<1x!tpu.dma_semaphore, #tpu.memory_space<semaphore_mem>> -> memref<!tpu.dma_semaphore, #tpu.memory_space<semaphore_mem>>
      tpu.enqueue_indirect_dma source(%dma_start3A_343 : memref<1000000x32xf32, #tpu.memory_space<hbm>>) target(%dma_start3A_337 : memref<1600x32xf32, #tpu.memory_space<vmem>>) offsets(%dma_start3A_340 : memref<1600xi32, #tpu.memory_space<vmem>>) semaphore(%dma_start3A_345 : memref<!tpu.dma_semaphore, #tpu.memory_space<semaphore_mem>>)
      %dma_wait3A_346 = arith.constant 0 : i32
      %dma_wait3A_347 = arith.constant 0 : i32
      %dma_wait3A_348 = tpu.memref_slice %arg6[%sub3A_315, %dma_wait3A_346, %dma_wait3A_347] : memref<2x1600x32xf32, #tpu.memory_space<vmem>> -> memref<1x1600x32xf32, #tpu.memory_space<vmem>>
      %dma_wait3A_349 = tpu.memref_squeeze %dma_wait3A_348 : memref<1x1600x32xf32, #tpu.memory_space<vmem>> -> memref<1600x32xf32, #tpu.memory_space<vmem>>
      %dma_wait3A_350 = arith.constant 0 : i32
      %dma_wait3A_351 = tpu.memref_slice %arg5[%sub3A_315, %dma_wait3A_350] : memref<2x1600xi32, #tpu.memory_space<vmem>> -> memref<1x1600xi32, #tpu.memory_space<vmem>>
      %dma_wait3A_352 = tpu.memref_squeeze %dma_wait3A_351 : memref<1x1600xi32, #tpu.memory_space<vmem>> -> memref<1600xi32, #tpu.memory_space<vmem>>
      %dma_wait3A_353 = arith.constant 0 : i32
      %dma_wait3A_354 = arith.constant 0 : i32
      %dma_wait3A_355 = tpu.memref_slice %arg3[%dma_wait3A_353, %dma_wait3A_354] : memref<1000000x32xf32, #tpu.memory_space<hbm>> -> memref<1000000x32xf32, #tpu.memory_space<hbm>>
      %dma_wait3A_356 = tpu.memref_slice %arg8[%sub3A_315] : memref<2x!tpu.dma_semaphore, #tpu.memory_space<semaphore_mem>> -> memref<1x!tpu.dma_semaphore, #tpu.memory_space<semaphore_mem>>
      %dma_wait3A_357 = tpu.memref_squeeze %dma_wait3A_356 : memref<1x!tpu.dma_semaphore, #tpu.memory_space<semaphore_mem>> -> memref<!tpu.dma_semaphore, #tpu.memory_space<semaphore_mem>>
      tpu.wait_indirect_dma semaphore(%dma_wait3A_357 : memref<!tpu.dma_semaphore, #tpu.memory_space<semaphore_mem>>) src(%dma_wait3A_355 : memref<1000000x32xf32, #tpu.memory_space<hbm>>) dst(%dma_wait3A_349 : memref<1600x32xf32, #tpu.memory_space<vmem>>)
      %sub3A_358 = arith.constant 1 : i32
      %sub3A_359 = arith.subi %scan3A_297, %sub3A_358 : i32
      %mul3A_360 = arith.constant 1600 : i32
      %mul3A_361 = arith.muli %sub3A_359, %mul3A_360 : i32
      %add3A_362 = arith.addi %mul3A_2, %mul3A_361 : i32
      %dma_start3A_363 = arith.constant 0 : i32
      %dma_start3A_364 = arith.constant 0 : i32
      %dma_start3A_365 = tpu.memref_slice %arg6[%sub3A_315, %dma_start3A_363, %dma_start3A_364] : memref<2x1600x32xf32, #tpu.memory_space<vmem>> -> memref<1x1600x32xf32, #tpu.memory_space<vmem>>
      %dma_start3A_366 = tpu.memref_squeeze %dma_start3A_365 : memref<1x1600x32xf32, #tpu.memory_space<vmem>> -> memref<1600x32xf32, #tpu.memory_space<vmem>>
      %dma_start3A_367 = arith.constant 0 : i32
      %dma_start3A_368 = tpu.memref_slice %arg4[%add3A_362, %dma_start3A_367] : memref<3276800x32xf32, #tpu.memory_space<hbm>> -> memref<1600x32xf32, #tpu.memory_space<hbm>>
      %dma_start3A_369 = tpu.memref_slice %arg9[%sub3A_315] : memref<2x!tpu.dma_semaphore, #tpu.memory_space<semaphore_mem>> -> memref<1x!tpu.dma_semaphore, #tpu.memory_space<semaphore_mem>>
      %dma_start3A_370 = tpu.memref_squeeze %dma_start3A_369 : memref<1x!tpu.dma_semaphore, #tpu.memory_space<semaphore_mem>> -> memref<!tpu.dma_semaphore, #tpu.memory_space<semaphore_mem>>
      %dma_start3A_371 = arith.constant 0 : i32
      %dma_start3A_372 = tpu.memref_slice %arg4[%add3A_362, %dma_start3A_371] : memref<3276800x32xf32, #tpu.memory_space<hbm>> -> memref<1600x32xf32, #tpu.memory_space<hbm>>
      %dma_start3A_373 = arith.constant 0 : i32
      %dma_start3A_374 = arith.constant 0 : i32
      %dma_start3A_375 = tpu.memref_slice %arg6[%sub3A_315, %dma_start3A_373, %dma_start3A_374] : memref<2x1600x32xf32, #tpu.memory_space<vmem>> -> memref<1x1600x32xf32, #tpu.memory_space<vmem>>
      %dma_start3A_376 = tpu.memref_squeeze %dma_start3A_375 : memref<1x1600x32xf32, #tpu.memory_space<vmem>> -> memref<1600x32xf32, #tpu.memory_space<vmem>>
      tpu.enqueue_dma source(%dma_start3A_376 : memref<1600x32xf32, #tpu.memory_space<vmem>>) target(%dma_start3A_372 : memref<1600x32xf32, #tpu.memory_space<hbm>>) target_semaphore(%dma_start3A_370 : memref<!tpu.dma_semaphore, #tpu.memory_space<semaphore_mem>>)
      %add3A_377 = arith.constant 1 : i32
      %add3A_378 = arith.addi %scan3A_297, %add3A_377 : i32
      %lt3A_379 = arith.constant 64 : i32
      %lt3A_380 = arith.cmpi slt, %add3A_378, %lt3A_379 : i32
      %convert_element_type3A_381 = arith.extui %lt3A_380 : i1 to i32
      %cond3A_382 = arith.constant 0 : i32
      %cond3A_383 = arith.cmpi ne, %convert_element_type3A_381, %cond3A_382 : i32
      scf.if %cond3A_383 {
        %add3A_384 = arith.constant 1 : i32
        %add3A_385 = arith.addi %scan3A_297, %add3A_384 : i32
        %mul3A_386 = arith.constant 1600 : i32
        %mul3A_387 = arith.muli %add3A_385, %mul3A_386 : i32
        %add3A_388 = arith.addi %mul3A_2, %mul3A_387 : i32
        %dma_start3A_389 = arith.constant 0 : i32
        %dma_start3A_390 = tpu.memref_slice %arg5[%sub3A_315, %dma_start3A_389] : memref<2x1600xi32, #tpu.memory_space<vmem>> -> memref<1x1600xi32, #tpu.memory_space<vmem>>
        %dma_start3A_391 = tpu.memref_squeeze %dma_start3A_390 : memref<1x1600xi32, #tpu.memory_space<vmem>> -> memref<1600xi32, #tpu.memory_space<vmem>>
        %dma_start3A_392 = tpu.memref_slice %arg2[%add3A_388] : memref<3276800xi32, #tpu.memory_space<hbm>> -> memref<1600xi32, #tpu.memory_space<hbm>>
        %dma_start3A_393 = tpu.memref_slice %arg7[%sub3A_315] : memref<2x!tpu.dma_semaphore, #tpu.memory_space<semaphore_mem>> -> memref<1x!tpu.dma_semaphore, #tpu.memory_space<semaphore_mem>>
        %dma_start3A_394 = tpu.memref_squeeze %dma_start3A_393 : memref<1x!tpu.dma_semaphore, #tpu.memory_space<semaphore_mem>> -> memref<!tpu.dma_semaphore, #tpu.memory_space<semaphore_mem>>
        %dma_start3A_395 = arith.constant 0 : i32
        %dma_start3A_396 = tpu.memref_slice %arg5[%sub3A_315, %dma_start3A_395] : memref<2x1600xi32, #tpu.memory_space<vmem>> -> memref<1x1600xi32, #tpu.memory_space<vmem>>
        %dma_start3A_397 = tpu.memref_squeeze %dma_start3A_396 : memref<1x1600xi32, #tpu.memory_space<vmem>> -> memref<1600xi32, #tpu.memory_space<vmem>>
        %dma_start3A_398 = tpu.memref_slice %arg2[%add3A_388] : memref<3276800xi32, #tpu.memory_space<hbm>> -> memref<1600xi32, #tpu.memory_space<hbm>>
        tpu.enqueue_dma source(%dma_start3A_398 : memref<1600xi32, #tpu.memory_space<hbm>>) target(%dma_start3A_397 : memref<1600xi32, #tpu.memory_space<vmem>>) target_semaphore(%dma_start3A_394 : memref<!tpu.dma_semaphore, #tpu.memory_space<semaphore_mem>>)
      } else {
      }
    }
    %scan3A_62 = arith.constant 62 : i32
    %scan3A_63 = arith.addi %scan3A_58, %scan3A_62 : i32
    %jit3A = arith.constant 2 : i32
    %eq3A = arith.constant 0 : i32
    %eq3A_64 = arith.cmpi eq, %jit3A, %eq3A : i32
    %jit3A_65 = arith.constant 1 : i32
    %select_n3A = arith.select %eq3A_64, %jit3A_65, %jit3A : i32
    %rem3A = arith.remsi %scan3A_63, %select_n3A : i32
    %ne3A = arith.constant 0 : i32
    %ne3A_66 = arith.cmpi ne, %rem3A, %ne3A : i32
    %lt3A = arith.constant 0 : i32
    %lt3A_67 = arith.cmpi slt, %rem3A, %lt3A : i32
    %lt3A_68 = arith.constant 0 : i32
    %lt3A_69 = arith.cmpi slt, %select_n3A, %lt3A_68 : i32
    %ne3A_70 = arith.xori %lt3A_67, %lt3A_69 : i1
    %and3A = arith.andi %ne3A_70, %ne3A_66 : i1
    %add3A_71 = arith.addi %rem3A, %select_n3A : i32
    %select_n3A_72 = arith.select %and3A, %add3A_71, %rem3A : i32
    %sub3A = arith.constant 1 : i32
    %sub3A_73 = arith.subi %sub3A, %select_n3A_72 : i32
    %ge3A = arith.constant 2 : i32
    %ge3A_74 = arith.cmpi sge, %scan3A_63, %ge3A : i32
    %convert_element_type3A = arith.extui %ge3A_74 : i1 to i32
    %cond3A = arith.constant 0 : i32
    %cond3A_75 = arith.cmpi ne, %convert_element_type3A, %cond3A : i32
    scf.if %cond3A_75 {
      %mul3A_209 = arith.constant 1600 : i32
      %mul3A_210 = arith.muli %scan3A_63, %mul3A_209 : i32
      %add3A_211 = arith.addi %mul3A_2, %mul3A_210 : i32
      %dma_wait3A_212 = arith.constant 0 : i32
      %dma_wait3A_213 = arith.constant 0 : i32
      %dma_wait3A_214 = tpu.memref_slice %arg6[%select_n3A_72, %dma_wait3A_212, %dma_wait3A_213] : memref<2x1600x32xf32, #tpu.memory_space<vmem>> -> memref<1x1600x32xf32, #tpu.memory_space<vmem>>
      %dma_wait3A_215 = tpu.memref_squeeze %dma_wait3A_214 : memref<1x1600x32xf32, #tpu.memory_space<vmem>> -> memref<1600x32xf32, #tpu.memory_space<vmem>>
      %dma_wait3A_216 = arith.constant 0 : i32
      %dma_wait3A_217 = tpu.memref_slice %arg4[%add3A_211, %dma_wait3A_216] : memref<3276800x32xf32, #tpu.memory_space<hbm>> -> memref<1600x32xf32, #tpu.memory_space<hbm>>
      %dma_wait3A_218 = tpu.memref_slice %arg9[%select_n3A_72] : memref<2x!tpu.dma_semaphore, #tpu.memory_space<semaphore_mem>> -> memref<1x!tpu.dma_semaphore, #tpu.memory_space<semaphore_mem>>
      %dma_wait3A_219 = tpu.memref_squeeze %dma_wait3A_218 : memref<1x!tpu.dma_semaphore, #tpu.memory_space<semaphore_mem>> -> memref<!tpu.dma_semaphore, #tpu.memory_space<semaphore_mem>>
      %dma_wait3A_220 = arith.constant 0 : i32
      %dma_wait3A_221 = tpu.memref_slice %arg4[%add3A_211, %dma_wait3A_220] : memref<3276800x32xf32, #tpu.memory_space<hbm>> -> memref<1600x32xf32, #tpu.memory_space<hbm>>
      %dma_wait3A_222 = arith.constant 0 : i32
      %dma_wait3A_223 = arith.constant 0 : i32
      %dma_wait3A_224 = tpu.memref_slice %arg6[%select_n3A_72, %dma_wait3A_222, %dma_wait3A_223] : memref<2x1600x32xf32, #tpu.memory_space<vmem>> -> memref<1x1600x32xf32, #tpu.memory_space<vmem>>
      %dma_wait3A_225 = tpu.memref_squeeze %dma_wait3A_224 : memref<1x1600x32xf32, #tpu.memory_space<vmem>> -> memref<1600x32xf32, #tpu.memory_space<vmem>>
      tpu.wait_dma2 semaphore(%dma_wait3A_219 : memref<!tpu.dma_semaphore, #tpu.memory_space<semaphore_mem>>) src(%dma_wait3A_225 : memref<1600x32xf32, #tpu.memory_space<vmem>>) dst(%dma_wait3A_221 : memref<1600x32xf32, #tpu.memory_space<hbm>>)
    } else {
    }
    %mul3A_76 = arith.constant 1600 : i32
    %mul3A_77 = arith.muli %scan3A_63, %mul3A_76 : i32
    %add3A_78 = arith.addi %mul3A_2, %mul3A_77 : i32
    %dma_wait3A_79 = arith.constant 0 : i32
    %dma_wait3A_80 = tpu.memref_slice %arg5[%select_n3A_72, %dma_wait3A_79] : memref<2x1600xi32, #tpu.memory_space<vmem>> -> memref<1x1600xi32, #tpu.memory_space<vmem>>
    %dma_wait3A_81 = tpu.memref_squeeze %dma_wait3A_80 : memref<1x1600xi32, #tpu.memory_space<vmem>> -> memref<1600xi32, #tpu.memory_space<vmem>>
    %dma_wait3A_82 = tpu.memref_slice %arg2[%add3A_78] : memref<3276800xi32, #tpu.memory_space<hbm>> -> memref<1600xi32, #tpu.memory_space<hbm>>
    %dma_wait3A_83 = tpu.memref_slice %arg7[%select_n3A_72] : memref<2x!tpu.dma_semaphore, #tpu.memory_space<semaphore_mem>> -> memref<1x!tpu.dma_semaphore, #tpu.memory_space<semaphore_mem>>
    %dma_wait3A_84 = tpu.memref_squeeze %dma_wait3A_83 : memref<1x!tpu.dma_semaphore, #tpu.memory_space<semaphore_mem>> -> memref<!tpu.dma_semaphore, #tpu.memory_space<semaphore_mem>>
    %dma_wait3A_85 = arith.constant 0 : i32
    %dma_wait3A_86 = tpu.memref_slice %arg5[%select_n3A_72, %dma_wait3A_85] : memref<2x1600xi32, #tpu.memory_space<vmem>> -> memref<1x1600xi32, #tpu.memory_space<vmem>>
    %dma_wait3A_87 = tpu.memref_squeeze %dma_wait3A_86 : memref<1x1600xi32, #tpu.memory_space<vmem>> -> memref<1600xi32, #tpu.memory_space<vmem>>
    %dma_wait3A_88 = tpu.memref_slice %arg2[%add3A_78] : memref<3276800xi32, #tpu.memory_space<hbm>> -> memref<1600xi32, #tpu.memory_space<hbm>>
    tpu.wait_dma2 semaphore(%dma_wait3A_84 : memref<!tpu.dma_semaphore, #tpu.memory_space<semaphore_mem>>) src(%dma_wait3A_88 : memref<1600xi32, #tpu.memory_space<hbm>>) dst(%dma_wait3A_87 : memref<1600xi32, #tpu.memory_space<vmem>>)
    %dma_start3A_89 = arith.constant 0 : i32
    %dma_start3A_90 = arith.constant 0 : i32
    %dma_start3A_91 = tpu.memref_slice %arg6[%select_n3A_72, %dma_start3A_89, %dma_start3A_90] : memref<2x1600x32xf32, #tpu.memory_space<vmem>> -> memref<1x1600x32xf32, #tpu.memory_space<vmem>>
    %dma_start3A_92 = tpu.memref_squeeze %dma_start3A_91 : memref<1x1600x32xf32, #tpu.memory_space<vmem>> -> memref<1600x32xf32, #tpu.memory_space<vmem>>
    %dma_start3A_93 = arith.constant 0 : i32
    %dma_start3A_94 = tpu.memref_slice %arg5[%select_n3A_72, %dma_start3A_93] : memref<2x1600xi32, #tpu.memory_space<vmem>> -> memref<1x1600xi32, #tpu.memory_space<vmem>>
    %dma_start3A_95 = tpu.memref_squeeze %dma_start3A_94 : memref<1x1600xi32, #tpu.memory_space<vmem>> -> memref<1600xi32, #tpu.memory_space<vmem>>
    %dma_start3A_96 = arith.constant 0 : i32
    %dma_start3A_97 = arith.constant 0 : i32
    %dma_start3A_98 = tpu.memref_slice %arg3[%dma_start3A_96, %dma_start3A_97] : memref<1000000x32xf32, #tpu.memory_space<hbm>> -> memref<1000000x32xf32, #tpu.memory_space<hbm>>
    %dma_start3A_99 = tpu.memref_slice %arg8[%select_n3A_72] : memref<2x!tpu.dma_semaphore, #tpu.memory_space<semaphore_mem>> -> memref<1x!tpu.dma_semaphore, #tpu.memory_space<semaphore_mem>>
    %dma_start3A_100 = tpu.memref_squeeze %dma_start3A_99 : memref<1x!tpu.dma_semaphore, #tpu.memory_space<semaphore_mem>> -> memref<!tpu.dma_semaphore, #tpu.memory_space<semaphore_mem>>
    tpu.enqueue_indirect_dma source(%dma_start3A_98 : memref<1000000x32xf32, #tpu.memory_space<hbm>>) target(%dma_start3A_92 : memref<1600x32xf32, #tpu.memory_space<vmem>>) offsets(%dma_start3A_95 : memref<1600xi32, #tpu.memory_space<vmem>>) semaphore(%dma_start3A_100 : memref<!tpu.dma_semaphore, #tpu.memory_space<semaphore_mem>>)
    %dma_wait3A_101 = arith.constant 0 : i32
    %dma_wait3A_102 = arith.constant 0 : i32
    %dma_wait3A_103 = tpu.memref_slice %arg6[%sub3A_73, %dma_wait3A_101, %dma_wait3A_102] : memref<2x1600x32xf32, #tpu.memory_space<vmem>> -> memref<1x1600x32xf32, #tpu.memory_space<vmem>>
    %dma_wait3A_104 = tpu.memref_squeeze %dma_wait3A_103 : memref<1x1600x32xf32, #tpu.memory_space<vmem>> -> memref<1600x32xf32, #tpu.memory_space<vmem>>
    %dma_wait3A_105 = arith.constant 0 : i32
    %dma_wait3A_106 = tpu.memref_slice %arg5[%sub3A_73, %dma_wait3A_105] : memref<2x1600xi32, #tpu.memory_space<vmem>> -> memref<1x1600xi32, #tpu.memory_space<vmem>>
    %dma_wait3A_107 = tpu.memref_squeeze %dma_wait3A_106 : memref<1x1600xi32, #tpu.memory_space<vmem>> -> memref<1600xi32, #tpu.memory_space<vmem>>
    %dma_wait3A_108 = arith.constant 0 : i32
    %dma_wait3A_109 = arith.constant 0 : i32
    %dma_wait3A_110 = tpu.memref_slice %arg3[%dma_wait3A_108, %dma_wait3A_109] : memref<1000000x32xf32, #tpu.memory_space<hbm>> -> memref<1000000x32xf32, #tpu.memory_space<hbm>>
    %dma_wait3A_111 = tpu.memref_slice %arg8[%sub3A_73] : memref<2x!tpu.dma_semaphore, #tpu.memory_space<semaphore_mem>> -> memref<1x!tpu.dma_semaphore, #tpu.memory_space<semaphore_mem>>
    %dma_wait3A_112 = tpu.memref_squeeze %dma_wait3A_111 : memref<1x!tpu.dma_semaphore, #tpu.memory_space<semaphore_mem>> -> memref<!tpu.dma_semaphore, #tpu.memory_space<semaphore_mem>>
    tpu.wait_indirect_dma semaphore(%dma_wait3A_112 : memref<!tpu.dma_semaphore, #tpu.memory_space<semaphore_mem>>) src(%dma_wait3A_110 : memref<1000000x32xf32, #tpu.memory_space<hbm>>) dst(%dma_wait3A_104 : memref<1600x32xf32, #tpu.memory_space<vmem>>)
    %sub3A_113 = arith.constant 1 : i32
    %sub3A_114 = arith.subi %scan3A_63, %sub3A_113 : i32
    %mul3A_115 = arith.constant 1600 : i32
    %mul3A_116 = arith.muli %sub3A_114, %mul3A_115 : i32
    %add3A_117 = arith.addi %mul3A_2, %mul3A_116 : i32
    %dma_start3A_118 = arith.constant 0 : i32
    %dma_start3A_119 = arith.constant 0 : i32
    %dma_start3A_120 = tpu.memref_slice %arg6[%sub3A_73, %dma_start3A_118, %dma_start3A_119] : memref<2x1600x32xf32, #tpu.memory_space<vmem>> -> memref<1x1600x32xf32, #tpu.memory_space<vmem>>
    %dma_start3A_121 = tpu.memref_squeeze %dma_start3A_120 : memref<1x1600x32xf32, #tpu.memory_space<vmem>> -> memref<1600x32xf32, #tpu.memory_space<vmem>>
    %dma_start3A_122 = arith.constant 0 : i32
    %dma_start3A_123 = tpu.memref_slice %arg4[%add3A_117, %dma_start3A_122] : memref<3276800x32xf32, #tpu.memory_space<hbm>> -> memref<1600x32xf32, #tpu.memory_space<hbm>>
    %dma_start3A_124 = tpu.memref_slice %arg9[%sub3A_73] : memref<2x!tpu.dma_semaphore, #tpu.memory_space<semaphore_mem>> -> memref<1x!tpu.dma_semaphore, #tpu.memory_space<semaphore_mem>>
    %dma_start3A_125 = tpu.memref_squeeze %dma_start3A_124 : memref<1x!tpu.dma_semaphore, #tpu.memory_space<semaphore_mem>> -> memref<!tpu.dma_semaphore, #tpu.memory_space<semaphore_mem>>
    %dma_start3A_126 = arith.constant 0 : i32
    %dma_start3A_127 = tpu.memref_slice %arg4[%add3A_117, %dma_start3A_126] : memref<3276800x32xf32, #tpu.memory_space<hbm>> -> memref<1600x32xf32, #tpu.memory_space<hbm>>
    %dma_start3A_128 = arith.constant 0 : i32
    %dma_start3A_129 = arith.constant 0 : i32
    %dma_start3A_130 = tpu.memref_slice %arg6[%sub3A_73, %dma_start3A_128, %dma_start3A_129] : memref<2x1600x32xf32, #tpu.memory_space<vmem>> -> memref<1x1600x32xf32, #tpu.memory_space<vmem>>
    %dma_start3A_131 = tpu.memref_squeeze %dma_start3A_130 : memref<1x1600x32xf32, #tpu.memory_space<vmem>> -> memref<1600x32xf32, #tpu.memory_space<vmem>>
    tpu.enqueue_dma source(%dma_start3A_131 : memref<1600x32xf32, #tpu.memory_space<vmem>>) target(%dma_start3A_127 : memref<1600x32xf32, #tpu.memory_space<hbm>>) target_semaphore(%dma_start3A_125 : memref<!tpu.dma_semaphore, #tpu.memory_space<semaphore_mem>>)
    %add3A_132 = arith.constant 1 : i32
    %add3A_133 = arith.addi %scan3A_63, %add3A_132 : i32
    %lt3A_134 = arith.constant 64 : i32
    %lt3A_135 = arith.cmpi slt, %add3A_133, %lt3A_134 : i32
    %convert_element_type3A_136 = arith.extui %lt3A_135 : i1 to i32
    %cond3A_137 = arith.constant 0 : i32
    %cond3A_138 = arith.cmpi ne, %convert_element_type3A_136, %cond3A_137 : i32
    scf.if %cond3A_138 {
      %add3A_209 = arith.constant 1 : i32
      %add3A_210 = arith.addi %scan3A_63, %add3A_209 : i32
      %mul3A_211 = arith.constant 1600 : i32
      %mul3A_212 = arith.muli %add3A_210, %mul3A_211 : i32
      %add3A_213 = arith.addi %mul3A_2, %mul3A_212 : i32
      %dma_start3A_214 = arith.constant 0 : i32
      %dma_start3A_215 = tpu.memref_slice %arg5[%sub3A_73, %dma_start3A_214] : memref<2x1600xi32, #tpu.memory_space<vmem>> -> memref<1x1600xi32, #tpu.memory_space<vmem>>
      %dma_start3A_216 = tpu.memref_squeeze %dma_start3A_215 : memref<1x1600xi32, #tpu.memory_space<vmem>> -> memref<1600xi32, #tpu.memory_space<vmem>>
      %dma_start3A_217 = tpu.memref_slice %arg2[%add3A_213] : memref<3276800xi32, #tpu.memory_space<hbm>> -> memref<1600xi32, #tpu.memory_space<hbm>>
      %dma_start3A_218 = tpu.memref_slice %arg7[%sub3A_73] : memref<2x!tpu.dma_semaphore, #tpu.memory_space<semaphore_mem>> -> memref<1x!tpu.dma_semaphore, #tpu.memory_space<semaphore_mem>>
      %dma_start3A_219 = tpu.memref_squeeze %dma_start3A_218 : memref<1x!tpu.dma_semaphore, #tpu.memory_space<semaphore_mem>> -> memref<!tpu.dma_semaphore, #tpu.memory_space<semaphore_mem>>
      %dma_start3A_220 = arith.constant 0 : i32
      %dma_start3A_221 = tpu.memref_slice %arg5[%sub3A_73, %dma_start3A_220] : memref<2x1600xi32, #tpu.memory_space<vmem>> -> memref<1x1600xi32, #tpu.memory_space<vmem>>
      %dma_start3A_222 = tpu.memref_squeeze %dma_start3A_221 : memref<1x1600xi32, #tpu.memory_space<vmem>> -> memref<1600xi32, #tpu.memory_space<vmem>>
      %dma_start3A_223 = tpu.memref_slice %arg2[%add3A_213] : memref<3276800xi32, #tpu.memory_space<hbm>> -> memref<1600xi32, #tpu.memory_space<hbm>>
      tpu.enqueue_dma source(%dma_start3A_223 : memref<1600xi32, #tpu.memory_space<hbm>>) target(%dma_start3A_222 : memref<1600xi32, #tpu.memory_space<vmem>>) target_semaphore(%dma_start3A_219 : memref<!tpu.dma_semaphore, #tpu.memory_space<semaphore_mem>>)
    } else {
    }
    %scan3A_139 = arith.constant 63 : i32
    %dma_wait3A_140 = arith.constant 1 : i32
    %dma_wait3A_141 = arith.constant 1 : i32
    %dma_wait3A_142 = arith.constant 1 : i32
    %dma_wait3A_143 = arith.constant 0 : i32
    %dma_wait3A_144 = arith.constant 0 : i32
    %dma_wait3A_145 = tpu.memref_slice %arg6[%dma_wait3A_141, %dma_wait3A_143, %dma_wait3A_144] : memref<2x1600x32xf32, #tpu.memory_space<vmem>> -> memref<1x1600x32xf32, #tpu.memory_space<vmem>>
    %dma_wait3A_146 = tpu.memref_squeeze %dma_wait3A_145 : memref<1x1600x32xf32, #tpu.memory_space<vmem>> -> memref<1600x32xf32, #tpu.memory_space<vmem>>
    %dma_wait3A_147 = arith.constant 0 : i32
    %dma_wait3A_148 = tpu.memref_slice %arg5[%dma_wait3A_140, %dma_wait3A_147] : memref<2x1600xi32, #tpu.memory_space<vmem>> -> memref<1x1600xi32, #tpu.memory_space<vmem>>
    %dma_wait3A_149 = tpu.memref_squeeze %dma_wait3A_148 : memref<1x1600xi32, #tpu.memory_space<vmem>> -> memref<1600xi32, #tpu.memory_space<vmem>>
    %dma_wait3A_150 = arith.constant 0 : i32
    %dma_wait3A_151 = arith.constant 0 : i32
    %dma_wait3A_152 = tpu.memref_slice %arg3[%dma_wait3A_150, %dma_wait3A_151] : memref<1000000x32xf32, #tpu.memory_space<hbm>> -> memref<1000000x32xf32, #tpu.memory_space<hbm>>
    %dma_wait3A_153 = tpu.memref_slice %arg8[%dma_wait3A_142] : memref<2x!tpu.dma_semaphore, #tpu.memory_space<semaphore_mem>> -> memref<1x!tpu.dma_semaphore, #tpu.memory_space<semaphore_mem>>
    %dma_wait3A_154 = tpu.memref_squeeze %dma_wait3A_153 : memref<1x!tpu.dma_semaphore, #tpu.memory_space<semaphore_mem>> -> memref<!tpu.dma_semaphore, #tpu.memory_space<semaphore_mem>>
    tpu.wait_indirect_dma semaphore(%dma_wait3A_154 : memref<!tpu.dma_semaphore, #tpu.memory_space<semaphore_mem>>) src(%dma_wait3A_152 : memref<1000000x32xf32, #tpu.memory_space<hbm>>) dst(%dma_wait3A_146 : memref<1600x32xf32, #tpu.memory_space<vmem>>)
    %add3A_155 = arith.constant 100800 : i32
    %add3A_156 = arith.addi %mul3A_2, %add3A_155 : i32
    %dma_start3A_157 = arith.constant 1 : i32
    %dma_start3A_158 = arith.constant 1 : i32
    %dma_start3A_159 = arith.constant 0 : i32
    %dma_start3A_160 = arith.constant 0 : i32
    %dma_start3A_161 = tpu.memref_slice %arg6[%dma_start3A_157, %dma_start3A_159, %dma_start3A_160] : memref<2x1600x32xf32, #tpu.memory_space<vmem>> -> memref<1x1600x32xf32, #tpu.memory_space<vmem>>
    %dma_start3A_162 = tpu.memref_squeeze %dma_start3A_161 : memref<1x1600x32xf32, #tpu.memory_space<vmem>> -> memref<1600x32xf32, #tpu.memory_space<vmem>>
    %dma_start3A_163 = arith.constant 0 : i32
    %dma_start3A_164 = tpu.memref_slice %arg4[%add3A_156, %dma_start3A_163] : memref<3276800x32xf32, #tpu.memory_space<hbm>> -> memref<1600x32xf32, #tpu.memory_space<hbm>>
    %dma_start3A_165 = tpu.memref_slice %arg9[%dma_start3A_158] : memref<2x!tpu.dma_semaphore, #tpu.memory_space<semaphore_mem>> -> memref<1x!tpu.dma_semaphore, #tpu.memory_space<semaphore_mem>>
    %dma_start3A_166 = tpu.memref_squeeze %dma_start3A_165 : memref<1x!tpu.dma_semaphore, #tpu.memory_space<semaphore_mem>> -> memref<!tpu.dma_semaphore, #tpu.memory_space<semaphore_mem>>
    %dma_start3A_167 = arith.constant 0 : i32
    %dma_start3A_168 = tpu.memref_slice %arg4[%add3A_156, %dma_start3A_167] : memref<3276800x32xf32, #tpu.memory_space<hbm>> -> memref<1600x32xf32, #tpu.memory_space<hbm>>
    %dma_start3A_169 = arith.constant 0 : i32
    %dma_start3A_170 = arith.constant 0 : i32
    %dma_start3A_171 = tpu.memref_slice %arg6[%dma_start3A_157, %dma_start3A_169, %dma_start3A_170] : memref<2x1600x32xf32, #tpu.memory_space<vmem>> -> memref<1x1600x32xf32, #tpu.memory_space<vmem>>
    %dma_start3A_172 = tpu.memref_squeeze %dma_start3A_171 : memref<1x1600x32xf32, #tpu.memory_space<vmem>> -> memref<1600x32xf32, #tpu.memory_space<vmem>>
    tpu.enqueue_dma source(%dma_start3A_172 : memref<1600x32xf32, #tpu.memory_space<vmem>>) target(%dma_start3A_168 : memref<1600x32xf32, #tpu.memory_space<hbm>>) target_semaphore(%dma_start3A_166 : memref<!tpu.dma_semaphore, #tpu.memory_space<semaphore_mem>>)
    %add3A_173 = arith.constant 99200 : i32
    %add3A_174 = arith.addi %mul3A_2, %add3A_173 : i32
    %dma_wait3A_175 = arith.constant 0 : i32
    %dma_wait3A_176 = arith.constant 0 : i32
    %dma_wait3A_177 = arith.constant 0 : i32
    %dma_wait3A_178 = arith.constant 0 : i32
    %dma_wait3A_179 = tpu.memref_slice %arg6[%dma_wait3A_175, %dma_wait3A_177, %dma_wait3A_178] : memref<2x1600x32xf32, #tpu.memory_space<vmem>> -> memref<1x1600x32xf32, #tpu.memory_space<vmem>>
    %dma_wait3A_180 = tpu.memref_squeeze %dma_wait3A_179 : memref<1x1600x32xf32, #tpu.memory_space<vmem>> -> memref<1600x32xf32, #tpu.memory_space<vmem>>
    %dma_wait3A_181 = arith.constant 0 : i32
    %dma_wait3A_182 = tpu.memref_slice %arg4[%add3A_174, %dma_wait3A_181] : memref<3276800x32xf32, #tpu.memory_space<hbm>> -> memref<1600x32xf32, #tpu.memory_space<hbm>>
    %dma_wait3A_183 = tpu.memref_slice %arg9[%dma_wait3A_176] : memref<2x!tpu.dma_semaphore, #tpu.memory_space<semaphore_mem>> -> memref<1x!tpu.dma_semaphore, #tpu.memory_space<semaphore_mem>>
    %dma_wait3A_184 = tpu.memref_squeeze %dma_wait3A_183 : memref<1x!tpu.dma_semaphore, #tpu.memory_space<semaphore_mem>> -> memref<!tpu.dma_semaphore, #tpu.memory_space<semaphore_mem>>
    %dma_wait3A_185 = arith.constant 0 : i32
    %dma_wait3A_186 = tpu.memref_slice %arg4[%add3A_174, %dma_wait3A_185] : memref<3276800x32xf32, #tpu.memory_space<hbm>> -> memref<1600x32xf32, #tpu.memory_space<hbm>>
    %dma_wait3A_187 = arith.constant 0 : i32
    %dma_wait3A_188 = arith.constant 0 : i32
    %dma_wait3A_189 = tpu.memref_slice %arg6[%dma_wait3A_175, %dma_wait3A_187, %dma_wait3A_188] : memref<2x1600x32xf32, #tpu.memory_space<vmem>> -> memref<1x1600x32xf32, #tpu.memory_space<vmem>>
    %dma_wait3A_190 = tpu.memref_squeeze %dma_wait3A_189 : memref<1x1600x32xf32, #tpu.memory_space<vmem>> -> memref<1600x32xf32, #tpu.memory_space<vmem>>
    tpu.wait_dma2 semaphore(%dma_wait3A_184 : memref<!tpu.dma_semaphore, #tpu.memory_space<semaphore_mem>>) src(%dma_wait3A_190 : memref<1600x32xf32, #tpu.memory_space<vmem>>) dst(%dma_wait3A_186 : memref<1600x32xf32, #tpu.memory_space<hbm>>)
    %add3A_191 = arith.constant 100800 : i32
    %add3A_192 = arith.addi %mul3A_2, %add3A_191 : i32
    %dma_wait3A_193 = arith.constant 1 : i32
    %dma_wait3A_194 = arith.constant 1 : i32
    %dma_wait3A_195 = arith.constant 0 : i32
    %dma_wait3A_196 = arith.constant 0 : i32
    %dma_wait3A_197 = tpu.memref_slice %arg6[%dma_wait3A_193, %dma_wait3A_195, %dma_wait3A_196] : memref<2x1600x32xf32, #tpu.memory_space<vmem>> -> memref<1x1600x32xf32, #tpu.memory_space<vmem>>
    %dma_wait3A_198 = tpu.memref_squeeze %dma_wait3A_197 : memref<1x1600x32xf32, #tpu.memory_space<vmem>> -> memref<1600x32xf32, #tpu.memory_space<vmem>>
    %dma_wait3A_199 = arith.constant 0 : i32
    %dma_wait3A_200 = tpu.memref_slice %arg4[%add3A_192, %dma_wait3A_199] : memref<3276800x32xf32, #tpu.memory_space<hbm>> -> memref<1600x32xf32, #tpu.memory_space<hbm>>
    %dma_wait3A_201 = tpu.memref_slice %arg9[%dma_wait3A_194] : memref<2x!tpu.dma_semaphore, #tpu.memory_space<semaphore_mem>> -> memref<1x!tpu.dma_semaphore, #tpu.memory_space<semaphore_mem>>
    %dma_wait3A_202 = tpu.memref_squeeze %dma_wait3A_201 : memref<1x!tpu.dma_semaphore, #tpu.memory_space<semaphore_mem>> -> memref<!tpu.dma_semaphore, #tpu.memory_space<semaphore_mem>>
    %dma_wait3A_203 = arith.constant 0 : i32
    %dma_wait3A_204 = tpu.memref_slice %arg4[%add3A_192, %dma_wait3A_203] : memref<3276800x32xf32, #tpu.memory_space<hbm>> -> memref<1600x32xf32, #tpu.memory_space<hbm>>
    %dma_wait3A_205 = arith.constant 0 : i32
    %dma_wait3A_206 = arith.constant 0 : i32
    %dma_wait3A_207 = tpu.memref_slice %arg6[%dma_wait3A_193, %dma_wait3A_205, %dma_wait3A_206] : memref<2x1600x32xf32, #tpu.memory_space<vmem>> -> memref<1x1600x32xf32, #tpu.memory_space<vmem>>
    %dma_wait3A_208 = tpu.memref_squeeze %dma_wait3A_207 : memref<1x1600x32xf32, #tpu.memory_space<vmem>> -> memref<1600x32xf32, #tpu.memory_space<vmem>>
    tpu.wait_dma2 semaphore(%dma_wait3A_202 : memref<!tpu.dma_semaphore, #tpu.memory_space<semaphore_mem>>) src(%dma_wait3A_208 : memref<1600x32xf32, #tpu.memory_space<vmem>>) dst(%dma_wait3A_204 : memref<1600x32xf32, #tpu.memory_space<hbm>>)
    return
  }
}

</mosaic_0001>

<sc_bundles>
// kernel: _emb_gather.3.cloned.1.call-start
scs
__scs_entry_jumppad:
0x0: {  	(pc) =	sbr.rel $0x88, $3  }
0x1: {  	(tag) =	ssettag $0x0;
	lr =	simm.s32 $0x1  }
0x2: {  	[smem:$0x3F9F] =	sst lr;
	_ =	strace $0xD0000000  }
0x3: {  	_ = 	snop  }
0x4: {  	_ = 	snop  }
0x5: {  	_ = 	snop  }
0x6: {  	_ = 	snop  }
0x7: {  	_ = 	snop  }
__scs_overlays_trampoline_lowered:
0x8: {  	[smem:$0x3FAE] =	sst s0  }
0x9: {  	[smem:$0x3FAF] =	sst s1  }
0xa: {  	[smem:$0x3FB0] =	sst s2  }
0xb: {  	[smem:$0x3FB1] =	sst s3  }
0xc: {  	[smem:$0x3FB2] =	sst s4  }
0xd: {  	[smem:$0x3FB3] =	sst s5  }
0xe: {  	[smem:$0x3FB4] =	sst s6  }
0xf: {  	[smem:$0x3FB5] =	sst s7  }
0x10: {  	[smem:$0x3FB6] =	sst s8  }
0x11: {  	[smem:$0x3FB7] =	sst s9;
	s0 =	simm.s32 @!p0 $0x0  }
0x12: {  	s1 =	sld [smem:$0x3F9D];
	s0 =	simm.s32 @p0 $0x1  }
0x13: {  	[smem:$0x3FB8] =	sst s0;
	s0 =	simm.s32 @!p1 $0x0  }
0x14: {  	s2 =	sld [smem:$0x3F9C];
	s0 =	simm.s32 @p1 $0x1  }
0x15: {  	[smem:$0x3FB9] =	sst s0;
	s0 =	simm.s32 @!p2 $0x0  }
0x16: {  	s3 =	sld [smem:$0x3FDB];
	s0 =	simm.s32 @p2 $0x1  }
0x17: {  	s4 =	simm.s32 $0x1BF5;
	[smem:$0x3FBB] =	sst s0  }
0x18: {  	s0 =	sld [smem:$0x3F9E];
	_ =	swait.ge [sflag:s4], $0x0  }
0x19: {  	s7 =	sld [smem:$0x3F9F]  }
0x1a: {  	s8 =	sadd.s32 $0xFFFFE003, lr  }
0x1b: {  	s9 =	sadd.s32 $0xFFFFFEF7, lr;
	s5 =	simm.s32 $0xFFFFFFFF;
	p2 =	slt.u32 s8, $0xFFFFF086  }
0x1c: {  	p1 =	slt.u32 s9, $0xF7A;
	s5 =	simm.s32 @!p2 $0x0  }
0x1d: {  	s5 =	simm.s32 @p1 $0x1;
	p0 =	seq.s32 s7, s2  }
0x1e: {  	s7 =	smul.u32 @!p0 $0xF7A, s2;
	p2 =	seq.s32 @!p0 s5, $0x0  }
0x1f: {  	s9 =	smul.u32 $0xF7A, s1;
	s8 =	simm.s32 @!p0 $0x1BF5;
	p2 =	por !p2, p0  }
0x20: {  	[sflag:s8] =	ssyncset.s32 @!p0 $0xFFFFF086;
	s6 =	sadd.s32 @!p0 s3, s7;
	s7 =	simm.s32 @!p0 $0x108  }
0x21: {  	s3 =	sadd.s32 s3, s9;
	s6 =	sadd.s32 @!p0 $0x88, s6;
	s7 =	simm.s32 @p2 $0x1082  }
0x22: {  	[simem:s7], [sflag:s8] =	dma.local @!p0 [hbm:s6], $0xF7A  }
0x23: {  	s9 =	sor.u32 $0xD0000000, s2;
	s6 =	simm.s32 $0x108;
	_ =	swait.ge @!p0 [sflag:s8], $0x0  }
0x24: {  	s3 =	sadd.s32 $0x88, s3;
	s6 =	simm.s32 @!p1 $0x1082;
	[sflag:s4] =	ssyncset.s32 $0xFFFFF086  }
0x25: {  	[simem:s6], [sflag:s4] =	dma.local [hbm:s3], $0xF7A  }
0x26: {  	[smem:$0x3F9F] =	sst s1;
	(tag) =	ssettag s2;
	_ =	strace s9  }
0x27: {  	s1 =	sld [smem:$0x3FAF]  }
0x28: {  	s2 =	sld [smem:$0x3FB0]  }
0x29: {  	s4 =	sld [smem:$0x3FB2]  }
0x2a: {  	p0 =	seq.s32 s5, $0x0;
	s5 =	sld [smem:$0x3FB3]  }
0x2b: {  	s6 =	sld [smem:$0x3FB4]  }
0x2c: {  	s7 =	sld [smem:$0x3FB5]  }
0x2d: {  	s3 =	simm.s32 $0x108;
	s8 =	sld [smem:$0x3FB6]  }
0x2e: {  	s3 =	simm.s32 @!p0 $0x1082;
	s9 =	sld [smem:$0x3FB7]  }
0x2f: {  	lr =	sadd.s32 s0, s3;
	s0 =	sld [smem:$0x3FAE]  }
0x30: {  	s3 =	sld [smem:$0x3FB1]  }
0x31: {  	[smem:$0x3FBA] =	sst s10  }
0x32: {  	s10 =	sld [smem:$0x3FB8];
	_ =	sdelay $0x3  }
0x33: {  	p0 =	seq.s32 s10, $0x1;
	s10 =	sld [smem:$0x3FBA];
	_ =	sdelay $0x3  }
0x34: {  	[smem:$0x3FBA] =	sst s10  }
0x35: {  	s10 =	sld [smem:$0x3FB9];
	_ =	sdelay $0x3  }
0x36: {  	p1 =	seq.s32 s10, $0x1;
	s10 =	sld [smem:$0x3FBA];
	_ =	sdelay $0x3  }
0x37: {  	[smem:$0x3FBA] =	sst s10  }
0x38: {  	s10 =	sld [smem:$0x3FBB]  }
0x39: {  	_ = 	snop;
	(pc) =	sbr.ind lr, $3  }
0x3a: {  	_ = 	snop  }
0x3b: {  	_ = 	snop  }
0x3c: {  	p2 =	seq.s32 s10, $0x1;
	s10 =	sld [smem:$0x3FBA]  }
0x3d: {  	_ =	shalt  }
0x3e: {  	_ =	shalt  }
0x3f: {  	_ =	shalt  }
0x40: {  	_ =	shalt  }
0x41: {  	_ =	shalt  }
0x42: {  	_ =	shalt  }
0x43: {  	_ =	shalt  }
0x44: {  	_ =	shalt  }
0x45: {  	_ =	shalt  }
0x46: {  	_ =	shalt  }
0x47: {  	_ =	shalt  }
0x48: {  	_ =	shalt  }
0x49: {  	_ =	shalt  }
0x4a: {  	_ =	shalt  }
0x4b: {  	_ =	shalt  }
0x4c: {  	_ =	shalt  }
0x4d: {  	_ =	shalt  }
0x4e: {  	_ =	shalt  }
0x4f: {  	_ =	shalt  }
0x50: {  	_ =	shalt  }
0x51: {  	_ =	shalt  }
0x52: {  	_ =	shalt  }
0x53: {  	_ =	shalt  }
0x54: {  	_ =	shalt  }
0x55: {  	_ =	shalt  }
0x56: {  	_ =	shalt  }
0x57: {  	_ =	shalt  }
0x58: {  	_ =	shalt  }
0x59: {  	_ =	shalt  }
0x5a: {  	_ =	shalt  }
0x5b: {  	_ =	shalt  }
0x5c: {  	_ =	shalt  }
0x5d: {  	_ =	shalt  }
0x5e: {  	_ =	shalt  }
0x5f: {  	_ =	shalt  }
0x60: {  	_ =	shalt  }
0x61: {  	_ =	shalt  }
0x62: {  	_ =	shalt  }
0x63: {  	_ =	shalt  }
0x64: {  	_ =	shalt  }
0x65: {  	_ =	shalt  }
0x66: {  	_ =	shalt  }
0x67: {  	_ =	shalt  }
0x68: {  	_ =	shalt  }
0x69: {  	_ =	shalt  }
0x6a: {  	_ =	shalt  }
0x6b: {  	_ =	shalt  }
0x6c: {  	_ =	shalt  }
0x6d: {  	_ =	shalt  }
0x6e: {  	_ =	shalt  }
0x6f: {  	_ =	shalt  }
0x70: {  	_ =	shalt  }
0x71: {  	_ =	shalt  }
0x72: {  	_ =	shalt  }
0x73: {  	_ =	shalt  }
0x74: {  	_ =	shalt  }
0x75: {  	_ =	shalt  }
0x76: {  	_ =	shalt  }
0x77: {  	_ =	shalt  }
0x78: {  	_ =	shalt  }
0x79: {  	_ =	shalt  }
0x7a: {  	_ =	shalt  }
0x7b: {  	_ =	shalt  }
0x7c: {  	_ =	shalt  }
0x7d: {  	_ =	shalt  }
0x7e: {  	_ =	shalt  }
0x7f: {  	_ =	shalt  }
0x80: {  	_ =	shalt  }
0x81: {  	_ =	shalt  }
0x82: {  	_ =	shalt  }
0x83: {  	_ =	shalt  }
0x84: {  	_ =	shalt  }
0x85: {  	_ =	shalt  }
0x86: {  	_ =	shalt  }
0x87: {  	_ =	shalt  }
.Lfunc_end0:
.L_simem_size_0:
called_computation.1_lowered:
.L_overlay_start_0:
0x88: {  	s2 =	sld [smem:$0x3FD9]  }
0x89: {  	s3 =	sld [smem:$0x3FFE];
	_ =	sdelay $0x1  }
0x8a: {  	s1 =	srdreg.scid  }
0x8b: {  	s0 =	sand.u32 $0x1, s1  }
0x8c: {  	s17 =	sshll.u32 s0, $0xA;
	s2 =	sadd.s32 s3, s2  }
0x8d: {  	s2 =	sadd.s32 s2, s17  }
0x8e: {  	[smem:$0x3FC6] =	sst s2  }
0x8f: {  	_ = 	snop  }
0x90: {  	s2 =	sld [smem:$0x3FC9]  }
0x91: {  	s18 =	sld [smem:$0x3FD0];
	(tm) =	ssettm $0x1  }
0x92: {  	s4 =	sld [smem:$0x3FFB];
	_ =	sdelay $0x3  }
0x93: {  	_ =	strace s4  }
0x94: {  	s4 =	sld [smem:$0x3FFC];
	_ =	sdelay $0x3  }
0x95: {  	_ =	strace s4  }
0x96: {  	s4 =	sld [smem:$0x3FFD];
	_ =	sdelay $0x3  }
0x97: {  	_ =	strace s4  }
0x98: {  	_ =	strace $0x8FFFFFFF  }
0x99: {  	s19 =	sld [smem:$0x3FDB];
	_ =	sdelay $0x1  }
0x9a: {  	s5 =	simm.s32 $_scs_section_size  }
0x9b: {  	s6 =	simm.s32 $_size__tile_overlayer_lowered;
	s7 =	simm.s32 $_tile_overlayer_lowered  }
0x9c: {  	s22 =	simm.s32 $0x1BFF;
	s21 =	sshll.u32 s7, $0x1;
	s4 =	sadd.s32 s5, s19  }
0x9d: {  	s8 =	simm.s32 $0x0;
	s20 =	sshll.u32 s6, $0x1;
	s6 =	sadd.s32 s21, s4  }
0x9e: {  	[timem:s8], [sflag:s22] =	dma.local [hbm:s6], s20  }
0x9f: {  	_ =	swait.ge [sflag:s22], s20  }
0xa0: {  	s5 =	ssub.s32 $0x0, s20;
	[sflag:s22] =	ssyncset.done $0x0  }
0xa1: {  	[sflag:s22] =	ssyncadd.s32 s5;
	_ =	sdelay $0x1  }
0xa2: {  	s23 =	simm.s32 $0x1B8B  }
0xa3: {  	_ =	swait.ge [sflag:s23], $0x1  }
0xa4: {  	[sflag:s23] =	ssyncset.done $0x0  }
0xa5: {  	s25 =	simm.s32 $0x1B8E;
	s24 =	sld [smem:$0x3FFE];
	[sflag:s23] =	ssyncadd.s32 $0xFFFFFFFF  }
0xa6: {  	s26 =	simm.s32 $execute0_lowered;
	[smem:$0x3FD2] =	sst s25  }
0xa7: {  	s6 =	sshll.u32 s26, $0x1;
	_ =	strace $0x80000046;
	[dreg:$0x1] =	wrdreg $0xFFFFFFFF  }
0xa8: {  	s28 =	simm.s32 $_size_execute0_lowered;
	s4 =	sadd.s32 s4, s6;
	[dreg:$0x0] =	wrdreg $0x0  }
0xa9: {  	s6 =	sshll.u32 s28, $0x1;
	[dreg:$0x2] =	wrdreg s4  }
0xaa: {  	[dreg:$0x3] =	wrdreg s6  }
0xab: {  	[dreg:$0x4] =	wrdreg $0xC0  }
0xac: {  	_ =	task [dreg:s8], $0x5FFFF  }
0xad: {  	[dreg:$0x1] =	wrdreg $0xFFFFFFFF  }
0xae: {  	[dreg:$0x0] =	wrdreg $0x60  }
0xaf: {  	[dreg:$0x2] =	wrdreg s2  }
0xb0: {  	[dreg:$0x3] =	wrdreg s24  }
0xb1: {  	[dreg:$0x4] =	wrdreg s18  }
0xb2: {  	[dreg:$0x5] =	wrdreg $0x9  }
0xb3: {  	_ =	task.clear_ibuf [dreg:s8], $0x6FFFF;
	_ =	strace $0x90000046  }
0xb4: {  	s29 =	simm.s32 $0x9;
	_ =	strace $0x80000048  }
0xb5: {  	_ =	swait.ge [sflag:s29], $0x1  }
0xb6: {  	[sflag:s29] =	ssyncadd.s32 $0xFFFFFFFF  }
0xb7: {  	_ =	strace $0x90000048  }
0xb8: {  	_ =	sfence  }
0xb9: {  	s30 =	sld [smem:$0x0];
	_ =	sdelay $0x2  }
0xba: {  	s31 =	sshll.u32 s1, $0xD;
	s1 =	sshrl.u32 s1, $0x2  }
0xbb: {  	s3 =	sand.u32 $0x4000, s31;
	s1 =	sadd.s32 s1, s30  }
0xbc: {  	s0 =	sor.u32 s3, s0;
	s1 =	sshll.u32 s1, $0x11  }
0xbd: {  	s0 =	sor.u32 s1, s0  }
0xbe: {  	s0 =	sadd.s32 $0x8F2B, s0  }
0xbf: {  	[sflag:s0] =	ssyncadd.remote.s32 $0x1  }
0xc0: {  	_ =	sfence.sel $0xFFFF  }
0xc1: {  	[dreg:$0x0] =	wrdreg $0xFFFFFFFF;
	(pc) =	sbr.abs _section_cstart, $3  }
0xc2: {  	[dreg:$0x1] =	wrdreg $0xFFFFFFFF  }
0xc3: {  	_ =	task.clear_ibuf [dreg:s8], $0x2FFFF;
	_ =	strace $0x9FFFFFFF  }
0xc4: {  	(tm) =	ssettm $0x7FFFFFFF  }
0xc5: {  	_ =	shalt  }
tec
execute0_lowered:
.L_overlay_start_1:
0x0: {  	(tag) =	ssettag $0x1  }
0x1: {  	s1 =	rddreg [dreg:$0x0]  }
0x2: {  	s0 =	rddreg [dreg:$0x1];
	s2 =	srdreg.scid  }
0x3: {  	s10 =	stileid.u32;
	s13 =	rddreg [dreg:$0x2];
	s17 =	simm.s32 $0x640  }
0x4: {  	s18 =	simm.s32 $0xC80;
	s19 =	simm.s32 $0x2;
	s20 =	simm.s32 $0xD480  }
0x5: {  	s21 =	simm.s32 $0x3;
	s22 =	simm.s32 $0x5;
	s7 =	sand.u32 $0x1, s2  }
0x6: {  	s23 =	sshll.u32 s10, $0x1;
	s2 =	simm.s32 $0x0;
	s12 =	smul.u32 $0x32000, s10  }
0x7: {  	s3 =	sadd.s32 $0xF42C00, s0;
	s4 =	sor.u32 s7, s23;
	s14 =	smul.u32 $0x19000, s7  }
0x8: {  	s5 =	ssub.s32 $0x2, s7;
	[smem:$0x7FF] =	sst s2;
	s6 =	smul.u32 $0x19000, s4  }
0x9: {  	s23 =	simm.s32 $0x4;
	s8 =	sshrl.u32 s5, $0x1;
	s9 =	smul.u32 $0x320000, s4  }
0xa: {  	_ =	strace $0x80000047;
	s28 =	smul.u32 $0x64000, s4;
	s24 =	ssub.s32 s5, s8  }
0xb: {  	s30 =	sadd.s32 s14, s12;
	s25 =	sshrl.u32 s6, $0x3;
	s26 =	sshrl.u32 s9, $0x3  }
0xc: {  	s8 =	smax.u32 s24, $0x1;
	s9 =	sadd.s32 s13, s28;
	s14 =	sadd.s32 $0x1F40, s30  }
0xd: {  	s15 =	sadd.s32 $0x1900, s30;
	s16 =	sshll.u32 s30, $0x2;
	s24 =	simm.s32 $0x6  }
0xe: {  	s4 =	sadd.s32 s1, s25;
	s29 =	sadd.s32 s13, s26;
	s11 =	sadd.s32 $0x1900, s9  }
0xf: {  	s14 =	sshrl.u32 s14, $0x3;
	s15 =	sshrl.u32 s15, $0x3;
	s31 =	sadd.s32 s13, s16  }
0x10: {  	s25 =	simm.s32 $0x1;
	s26 =	simm.s32 $0x0;
	s5 =	sadd.s32 $0xC8, s4  }
0x11: {  	s6 =	sadd.s32 $0x62700, s29;
	s7 =	sadd.s32 $0x60E00, s29;
	s10 =	sadd.s32 $0x190, s4  }
0x12: {  	s12 =	sadd.s32 $0x258, s4;
	s0 =	sadd.s32 s14, s1;
	s14 =	sadd.s32 s15, s1  }
0x13: {  	s15 =	sadd.s32 $0x3200, s31;
	s16 =	sadd.s32 $0x4B00, s31;
	[dreg:$0x4] =	wrdreg s5  }
.LBB2_1:
0x14: {  	[tilespmem:s2], [sflag:$0x1] =	stream.linear.gather [hbm4b:s4+s2], $0x640, $0x38;
	[tilespmem:$0x19C80] =	vst v63  }
0x15: {  	s1 =	rddreg [dreg:$0x4]  }
0x16: {  	[tilespmem:s17], [sflag:$0x2] =	stream.linear.gather [hbm4b:s1+s2], $0x640, $0x38;
	[tilespmem:$0x19C80] =	vst v63  }
0x17: {  	_ =	swait.ge [sflag:s25], $0x640  }
0x18: {  	[sflag:s25] =	ssyncset.done $0x0  }
0x19: {  	[sflag:s25] =	ssyncadd.s32 $0xFFFFF9C0  }
0x1a: {  	[tilespmem:s18], [sflag:$0x3] =	stream.indirect.gather [hbm4b:s3+s17], $0x20, s2, s17, $0xb8;
	[tilespmem:$0x19C80] =	vst v63  }
0x1b: {  	_ =	swait.ge [sflag:s19], $0x640  }
0x1c: {  	[sflag:s19] =	ssyncset.done $0x0  }
0x1d: {  	[sflag:s19] =	ssyncadd.s32 $0xFFFFF9C0  }
0x1e: {  	[tilespmem:s20], [sflag:$0x4] =	stream.indirect.gather [hbm4b:s3+s17], $0x20, s17, s17, $0xb8;
	[tilespmem:$0x19C80] =	vst v63  }
0x1f: {  	_ =	swait.ge [sflag:s21], $0xC800  }
0x20: {  	[sflag:s21] =	ssyncset.done $0x0  }
0x21: {  	[sflag:s21] =	ssyncadd.s32 $0xFFFF3800  }
0x22: {  	[hbm4b:s9+s2] =	stream.linear.scatter [tilespmem:s18], [sflag:$0x5], $0xC800, $0x38;
	[tilespmem:$0x19C80] =	vst v63  }
0x23: {  	_ = 	snop  }
0x24: {  	[tilespmem:s2], [sflag:$0x1] =	stream.linear.gather [hbm4b:s10+s2], $0x640, $0x38;
	[tilespmem:$0x19C80] =	vst v63  }
0x25: {  	_ =	swait.ge [sflag:s22], $0xC800  }
0x26: {  	[sflag:s22] =	ssyncset.done $0x0  }
0x27: {  	[sflag:s22] =	ssyncadd.s32 $0xFFFF3800  }
0x28: {  	_ =	swait.ge [sflag:s25], $0x640  }
0x29: {  	[sflag:s25] =	ssyncset.done $0x0  }
0x2a: {  	[sflag:s25] =	ssyncadd.s32 $0xFFFFF9C0  }
0x2b: {  	[tilespmem:s18], [sflag:$0x3] =	stream.indirect.gather [hbm4b:s3+s17], $0x20, s2, s17, $0xb8;
	[tilespmem:$0x19C80] =	vst v63  }
0x2c: {  	_ =	swait.ge [sflag:s23], $0xC800  }
0x2d: {  	[sflag:s23] =	ssyncset.done $0x0  }
0x2e: {  	[sflag:s23] =	ssyncadd.s32 $0xFFFF3800  }
0x2f: {  	[hbm4b:s11+s2] =	stream.linear.scatter [tilespmem:s20], [sflag:$0x6], $0xC800, $0x38;
	[tilespmem:$0x19C80] =	vst v63  }
0x30: {  	_ = 	snop  }
0x31: {  	[tilespmem:s17], [sflag:$0x2] =	stream.linear.gather [hbm4b:s12+s2], $0x640, $0x38;
	[tilespmem:$0x19C80] =	vst v63  }
0x32: {  	_ =	swait.ge [sflag:s24], $0xC800  }
0x33: {  	[sflag:s24] =	ssyncset.done $0x0  }
0x34: {  	[sflag:s24] =	ssyncadd.s32 $0xFFFF3800  }
0x35: {  	_ =	swait.ge [sflag:s19], $0x640  }
0x36: {  	[sflag:s19] =	ssyncset.done $0x0  }
0x37: {  	[sflag:s19] =	ssyncadd.s32 $0xFFFFF9C0  }
0x38: {  	[tilespmem:s20], [sflag:$0x4] =	stream.indirect.gather [hbm4b:s3+s17], $0x20, s17, s17, $0xb8;
	[tilespmem:$0x19C80] =	vst v63  }
0x39: {  	_ =	swait.ge [sflag:s21], $0xC800  }
0x3a: {  	[sflag:s21] =	ssyncset.done $0x0  }
0x3b: {  	[sflag:s21] =	ssyncadd.s32 $0xFFFF3800  }
0x3c: {  	[hbm4b:s15+s2] =	stream.linear.scatter [tilespmem:s18], [sflag:$0x5], $0xC800, $0x38;
	[tilespmem:$0x19C80] =	vst v63  }
0x3d: {  	_ = 	snop  }
0x3e: {  	[tilespmem:s2], [sflag:$0x1] =	stream.linear.gather [hbm4b:s14+s2], $0x640, $0x38;
	[tilespmem:$0x19C80] =	vst v63  }
0x3f: {  	_ =	swait.ge [sflag:s22], $0xC800  }
0x40: {  	[sflag:s22] =	ssyncset.done $0x0  }
0x41: {  	[sflag:s22] =	ssyncadd.s32 $0xFFFF3800  }
0x42: {  	_ =	swait.ge [sflag:s25], $0x640  }
0x43: {  	[sflag:s25] =	ssyncset.done $0x0  }
0x44: {  	[sflag:s25] =	ssyncadd.s32 $0xFFFFF9C0  }
0x45: {  	[tilespmem:s18], [sflag:$0x3] =	stream.indirect.gather [hbm4b:s3+s17], $0x20, s2, s17, $0xb8;
	[tilespmem:$0x19C80] =	vst v63  }
0x46: {  	s28 =	simm.s32 $0x3;
	s29 =	sadd.s32 $0x3200, s16;
	_ =	swait.ge [sflag:s23], $0xC800  }
0x47: {  	s30 =	sadd.s32 $0x190, s0;
	s31 =	sadd.s32 $0x190, s14;
	[sflag:s23] =	ssyncset.done $0x0  }
0x48: {  	s13 =	smov.u32 s0;
	s1 =	sadd.s32 $0x3200, s15;
	[sflag:s23] =	ssyncadd.s32 $0xFFFF3800  }
0x49: {  	[hbm4b:s16+s2] =	stream.linear.scatter [tilespmem:s20], [sflag:$0x6], $0xC800, $0x38;
	[tilespmem:$0x19C80] =	vst v63  }
.LBB2_2:
0x4a: {  	[tilespmem:s17], [sflag:$0x2] =	stream.linear.gather [hbm4b:s13+s2], $0x640, $0x38;
	[tilespmem:$0x19C80] =	vst v63  }
0x4b: {  	s28 =	sadd.s32 $0x2, s28;
	s5 =	smov.u32 s29;
	_ =	swait.ge [sflag:s24], $0xC800  }
0x4c: {  	s13 =	smov.u32 s30;
	p0 =	slt.u32 s28, $0x3D;
	[sflag:s24] =	ssyncset.done $0x0  }
0x4d: {  	[sflag:s24] =	ssyncadd.s32 $0xFFFF3800  }
0x4e: {  	_ =	swait.ge [sflag:s19], $0x640  }
0x4f: {  	[sflag:s19] =	ssyncset.done $0x0  }
0x50: {  	[sflag:s19] =	ssyncadd.s32 $0xFFFFF9C0  }
0x51: {  	[tilespmem:s20], [sflag:$0x4] =	stream.indirect.gather [hbm4b:s3+s17], $0x20, s17, s17, $0xb8;
	[tilespmem:$0x19C80] =	vst v63  }
0x52: {  	_ =	swait.ge [sflag:s21], $0xC800  }
0x53: {  	[sflag:s21] =	ssyncset.done $0x0  }
0x54: {  	[sflag:s21] =	ssyncadd.s32 $0xFFFF3800  }
0x55: {  	[hbm4b:s1+s2] =	stream.linear.scatter [tilespmem:s18], [sflag:$0x5], $0xC800, $0x38;
	[tilespmem:$0x19C80] =	vst v63  }
0x56: {  	_ = 	snop  }
0x57: {  	[tilespmem:s2], [sflag:$0x1] =	stream.linear.gather [hbm4b:s31+s2], $0x640, $0x38;
	[tilespmem:$0x19C80] =	vst v63  }
0x58: {  	_ =	swait.ge [sflag:s22], $0xC800  }
0x59: {  	[sflag:s22] =	ssyncset.done $0x0  }
0x5a: {  	[sflag:s22] =	ssyncadd.s32 $0xFFFF3800  }
0x5b: {  	_ =	swait.ge [sflag:s25], $0x640  }
0x5c: {  	[sflag:s25] =	ssyncset.done $0x0  }
0x5d: {  	[sflag:s25] =	ssyncadd.s32 $0xFFFFF9C0  }
0x5e: {  	[tilespmem:s18], [sflag:$0x3] =	stream.indirect.gather [hbm4b:s3+s17], $0x20, s2, s17, $0xb8;
	[tilespmem:$0x19C80] =	vst v63  }
.Ltmp0:
0x5f: {  	_ =	swait.ge [sflag:s23], $0xC800;
	(pc) =	sbr.rel @p0 .LBB2_2-.Ltmp0, $4  }
0x60: {  	[sflag:s23] =	ssyncset.done $0x0  }
0x61: {  	s29 =	sadd.s32 $0x3200, s29;
	[sflag:s23] =	ssyncadd.s32 $0xFFFF3800  }
0x62: {  	[hbm4b:s5+s2] =	stream.linear.scatter [tilespmem:s20], [sflag:$0x6], $0xC800, $0x38;
	[tilespmem:$0x19C80] =	vst v63  }
0x63: {  	s30 =	sadd.s32 $0x190, s30;
	s1 =	sadd.s32 $0x3200, s1;
	s31 =	sadd.s32 $0x190, s31  }
0x64: {  	[tilespmem:s17], [sflag:$0x2] =	stream.linear.gather [hbm4b:s13+s2], $0x640, $0x38;
	[tilespmem:$0x19C80] =	vst v63  }
0x65: {  	_ =	swait.ge [sflag:s24], $0xC800  }
0x66: {  	[sflag:s24] =	ssyncset.done $0x0  }
0x67: {  	[sflag:s24] =	ssyncadd.s32 $0xFFFF3800  }
0x68: {  	_ =	swait.ge [sflag:s19], $0x640  }
0x69: {  	[sflag:s19] =	ssyncset.done $0x0  }
0x6a: {  	[sflag:s19] =	ssyncadd.s32 $0xFFFFF9C0  }
0x6b: {  	[tilespmem:s20], [sflag:$0x4] =	stream.indirect.gather [hbm4b:s3+s17], $0x20, s17, s17, $0xb8;
	[tilespmem:$0x19C80] =	vst v63  }
0x6c: {  	_ =	swait.ge [sflag:s21], $0xC800  }
0x6d: {  	[sflag:s21] =	ssyncset.done $0x0  }
0x6e: {  	[sflag:s21] =	ssyncadd.s32 $0xFFFF3800  }
0x6f: {  	[hbm4b:s7+s2] =	stream.linear.scatter [tilespmem:s18], [sflag:$0x5], $0xC800, $0x38;
	[tilespmem:$0x19C80] =	vst v63  }
0x70: {  	_ =	swait.ge [sflag:s23], $0xC800  }
0x71: {  	[sflag:s23] =	ssyncset.done $0x0  }
0x72: {  	s26 =	sadd.s32 $0x1, s26;
	[sflag:s23] =	ssyncadd.s32 $0xFFFF3800  }
0x73: {  	[hbm4b:s6+s2] =	stream.linear.scatter [tilespmem:s20], [sflag:$0x6], $0xC800, $0x38;
	[tilespmem:$0x19C80] =	vst v63  }
0x74: {  	p0 =	sne.s32 s26, s8;
	_ =	swait.ge [sflag:s22], $0xC800  }
.Ltmp1:
0x75: {  	[sflag:s22] =	ssyncset.done $0x0;
	(pc) =	sbr.rel @p0 .LBB2_1-.Ltmp1, $4  }
0x76: {  	[sflag:s22] =	ssyncadd.s32 $0xFFFF3800  }
0x77: {  	_ =	swait.ge [sflag:s24], $0xC800  }
0x78: {  	[sflag:s24] =	ssyncset.done $0x0  }
0x79: {  	[sflag:s24] =	ssyncadd.s32 $0xFFFF3800  }
0x7a: {  	_ =	sfence.sel $0x180000  }
0x7b: {  	[bflag:$0x0] =	sbarrier.arrive $0xFFFF  }
0x7c: {  	_ =	strace $0x90000047  }
0x7d: {  	s0 =	stileid.u32;
	[bflag:$0x2] =	sbarrier.arrive $0xFFFF  }
0x7e: {  	p0 =	sne.s32 s0, $0x0;
	s0 =	rddreg [dreg:$0x3]  }
0x7f: {  	s0 =	sadd.s32 @!p0 $0x100000, s0  }
0x80: {  	[sflag:s0] =	ssyncadd.tile.s32 @!p0 $0x1;
	_ =	shalt  }
.Lfunc_end2:
_tile_overlayer_lowered:
.L_overlay_start_2:
0x81: {  	(tag) =	ssettag $0x2  }
0x82: {  	s0 =	rddreg [dreg:$0x0];
	s2 =	stileid.u32  }
0x83: {  	s1 =	rddreg [dreg:$0x1];
	p0 =	sne.s32 s2, $0x0  }
0x84: {  	s3 =	rddreg [dreg:$0x2];
	[bflag:$0x3] =	sbarrier.arrive $0xFFFF;
	s2 =	simm.s32 @!p0 $0x1C07  }
0x85: {  	[timem:s3], [sflag:s2] =	dma.local @!p0 [hbm:s0], s1  }
0x86: {  	s0 =	simm.s32 @!p0 $0x7  }
0x87: {  	_ =	swait.ge @!p0 [sflag:s0], s1  }
0x88: {  	s1 =	ssub.s32 @!p0 $0x0, s1;
	[sflag:s0] =	ssyncset.done @!p0 $0x0  }
0x89: {  	[sflag:s0] =	ssyncadd.s32 @!p0 s1  }
0x8a: {  	[bflag:$0x3] =	sbarrier.arrive $0xFFFF  }
0x8b: {  	_ =	shalt  }

// kernel: sparse-core-data-format-call.cloned.1.call-start
scs
called_computation_lowered:
.L_overlay_start_0:
0x0: {  	s2 =	sld [smem:$0x3FD9]  }
0x1: {  	s3 =	sld [smem:$0x3FFE];
	_ =	sdelay $0x1  }
0x2: {  	s1 =	srdreg.scid  }
0x3: {  	s0 =	sand.u32 $0x1, s1  }
0x4: {  	s18 =	sshll.u32 s0, $0xA;
	s2 =	sadd.s32 s3, s2  }
0x5: {  	s2 =	sadd.s32 s2, s18  }
0x6: {  	[smem:$0x3FC6] =	sst s2  }
0x7: {  	_ = 	snop  }
0x8: {  	s2 =	sld [smem:$0x3FD0];
	(tm) =	ssettm $0x1  }
0x9: {  	s19 =	sld [smem:$0x3FFB];
	_ =	sdelay $0x3  }
0xa: {  	_ =	strace s19  }
0xb: {  	s3 =	sld [smem:$0x3FFC];
	_ =	sdelay $0x3  }
0xc: {  	_ =	strace s3  }
0xd: {  	s3 =	sld [smem:$0x3FFD];
	_ =	sdelay $0x3  }
0xe: {  	_ =	strace s3  }
0xf: {  	_ =	strace $0x8FFFFFFF  }
0x10: {  	s20 =	sld [smem:$0x3FDB];
	_ =	sdelay $0x1  }
0x11: {  	s4 =	simm.s32 $_scs_section_size  }
0x12: {  	s5 =	simm.s32 $_size__tile_overlayer_lowered;
	s6 =	simm.s32 $_tile_overlayer_lowered  }
0x13: {  	s23 =	simm.s32 $0x1BFF;
	s22 =	sshll.u32 s6, $0x1;
	s3 =	sadd.s32 s4, s20  }
0x14: {  	s7 =	simm.s32 $0x0;
	s21 =	sshll.u32 s5, $0x1;
	s5 =	sadd.s32 s22, s3  }
0x15: {  	[timem:s7], [sflag:s23] =	dma.local [hbm:s5], s21  }
0x16: {  	_ =	swait.ge [sflag:s23], s21  }
0x17: {  	s4 =	ssub.s32 $0x0, s21;
	[sflag:s23] =	ssyncset.done $0x0  }
0x18: {  	[sflag:s23] =	ssyncadd.s32 s4;
	_ =	sdelay $0x1  }
0x19: {  	s24 =	simm.s32 $0x1B8B  }
0x1a: {  	_ =	swait.ge [sflag:s24], $0x1  }
0x1b: {  	[sflag:s24] =	ssyncset.done $0x0  }
0x1c: {  	s26 =	simm.s32 $0x1B8E;
	s25 =	sld [smem:$0x3FFE];
	[sflag:s24] =	ssyncadd.s32 $0xFFFFFFFF  }
0x1d: {  	s27 =	simm.s32 $execute0_lowered;
	[smem:$0x3FD2] =	sst s26  }
0x1e: {  	s5 =	sshll.u32 s27, $0x1;
	_ =	strace $0x80000049;
	[dreg:$0x1] =	wrdreg $0xFFFFFFFF  }
0x1f: {  	s28 =	simm.s32 $_size_execute0_lowered;
	s3 =	sadd.s32 s3, s5;
	[dreg:$0x0] =	wrdreg $0x0  }
0x20: {  	s5 =	sshll.u32 s28, $0x1;
	[dreg:$0x2] =	wrdreg s3  }
0x21: {  	[dreg:$0x3] =	wrdreg s5  }
0x22: {  	[dreg:$0x4] =	wrdreg $0xC0  }
0x23: {  	_ =	task [dreg:s7], $0x5FFFF  }
0x24: {  	[dreg:$0x1] =	wrdreg $0xFFFFFFFF  }
0x25: {  	[dreg:$0x0] =	wrdreg $0x60  }
0x26: {  	[dreg:$0x2] =	wrdreg s25  }
0x27: {  	[dreg:$0x3] =	wrdreg s2  }
0x28: {  	[dreg:$0x4] =	wrdreg $0x9  }
0x29: {  	_ =	task.clear_ibuf [dreg:s7], $0x5FFFF;
	_ =	strace $0x90000049  }
0x2a: {  	s29 =	simm.s32 $0x9;
	_ =	strace $0x8000004B  }
0x2b: {  	_ =	swait.ge [sflag:s29], $0x1  }
0x2c: {  	[sflag:s29] =	ssyncadd.s32 $0xFFFFFFFF  }
0x2d: {  	_ =	strace $0x9000004B  }
0x2e: {  	_ =	sfence  }
0x2f: {  	s30 =	sld [smem:$0x0];
	_ =	sdelay $0x2  }
0x30: {  	s31 =	sshll.u32 s1, $0xD;
	s1 =	sshrl.u32 s1, $0x2  }
0x31: {  	s3 =	sand.u32 $0x4000, s31;
	s1 =	sadd.s32 s1, s30  }
0x32: {  	s0 =	sor.u32 s3, s0;
	s1 =	sshll.u32 s1, $0x11  }
0x33: {  	s0 =	sor.u32 s1, s0  }
0x34: {  	s0 =	sadd.s32 $0x8F2B, s0  }
0x35: {  	[sflag:s0] =	ssyncadd.remote.s32 $0x1  }
0x36: {  	_ =	sfence.sel $0xFFFF  }
0x37: {  	[dreg:$0x0] =	wrdreg $0xFFFFFFFF;
	(pc) =	sbr.abs _section_cstart, $3  }
0x38: {  	[dreg:$0x1] =	wrdreg $0xFFFFFFFF  }
0x39: {  	_ =	task.clear_ibuf [dreg:s7], $0x2FFFF;
	_ =	strace $0x9FFFFFFF  }
0x3a: {  	(tm) =	ssettm $0x7FFFFFFF  }
0x3b: {  	_ =	shalt  }
tec
execute0_lowered:
.L_overlay_start_1:
0x0: {  	(tag) =	ssettag $0x1  }
0x1: {  	s0 =	srdreg.scid  }
0x2: {  	s1 =	sshll.u32 s0, $0x4  }
0x3: {  	s4 =	rddreg [dreg:$0x0];
	s0 =	stileid.u32;
	s1 =	sand.u32 $0x10, s1  }
0x4: {  	s2 =	rddreg [dreg:$0x1];
	s7 =	simm.s32 $0x1;
	s1 =	sor.u32 s0, s1  }
0x5: {  	s8 =	simm.s32 $0x2;
	s11 =	simm.s32 $0x0;
	s3 =	sshll.u32 s1, $0x7  }
0x6: {  	s10 =	simm.s32 $0x0;
	s4 =	sadd.s32 $0x800, s4;
	s6 =	ssub.s32 $0x320000, s3  }
.Ltmp0:
0x7: {  	s1 =	rddreg [dreg:$0x2];
	s5 =	sand.u32 $0xF80, s6;
	(pc) =	sbr.rel .LBB1_1-.Ltmp0, $4  }
0x8: {  	_ =	strace $0x8000004A;
	s9 =	smov.u32 s3;
	p0 =	sne.s32 s5, $0x0  }
0x9: {  	s6 =	sshrl.u32 s6, $0xC;
	s5 =	simm.s32 $0x1;
	s7 =	simm.s32 @!p0 $0x0  }
0xa: {  	[sflag:s5] =	ssyncpa.u1 $0x0;
	p0 =	por $0x0, $0x0;
	s6 =	sadd.s32 s7, s6  }
0xb: {  	[sflag:s8] =	ssyncpa.u1 $0x0;
	s8 =	simm.s32 $0x1900000;
	s7 =	sadd.s32 $0x1, s6  }
.LBB1_4:
0xc: {  	s14 =	sshll.u32 s11, $0x3  }
0xd: {  	s30 =	sand.u32 $0x7F, s11;
	s15 =	sand.u32 $0xFFFFFC00, s14  }
0xe: {  	s11 =	sor.u32 s30, s15  }
0xf: {  	s15 =	smulhi.u32 $0x51EB851F, s11  }
0x10: {  	s14 =	smulhi.u32 $0x51EB851F, s14  }
0x11: {  	s15 =	sshrl.u32 s15, $0x14  }
0x12: {  	s14 =	sshrl.u32 s14, $0x14;
	s15 =	smul.u32 $0x320000, s15  }
0x13: {  	s14 =	sand.u32 $0x1F, s14  }
0x14: {  	s14 =	smul.u32 $0x64000, s14;
	s11 =	ssub.s32 s11, s15  }
0x15: {  	s15 =	sand.u32 $0x7, s11  }
0x16: {  	s14 =	sadd.s32 s2, s14;
	s11 =	sshrl.u32 s11, $0x3;
	s15 =	sshll.u32 s15, $0x12  }
0x17: {  	[tilespmem:s13+$0x0 ss:$0x81] =	vst.msk $0xffff, v0;
	s11 =	sadd.s32 s11, s14;
	s31 =	sor.u32 $0x400, s15  }
0x18: {  	[hbm4b:s11+s31] =	stream.strided.scatter [tilespmem:s12], [sflag:$0x2], $0x1000, s8, s31, $0x20;
	[tilespmem:$0x4040] =	vst v63  }
.LBB1_5:
0x19: {  	s13 =	sadd.s32 $0x1000, s9  }
0x1a: {  	p2 =	sgt.s32 s13, $0x31FFFF  }
0x1b: {  	s13 =	smov.u32 @p2 s3;
	p2 =	sne.s32 s10, s7  }
.Ltmp1:
0x1c: {  	p1 =	slt.u32 s10, $0x2;
	(pc) =	sbr.rel @!p2 .LBB1_6-.Ltmp1, $4  }
0x1d: {  	s12 =	simm.s32 @!p1 $0x2  }
0x1e: {  	s14 =	sadd.s32 $0x1, s10;
	_ =	swait.ge @!p1 [sflag:s12], $0x1000  }
0x1f: {  	s11 =	smov.u32 s9;
	p0 =	por !p0, !p0;
	[sflag:s12] =	ssyncset.done @!p1 $0x0  }
0x20: {  	s10 =	smov.u32 s14;
	s9 =	smov.u32 s13;
	[sflag:s12] =	ssyncadd.s32 @!p1 $0xFFFFF000  }
.LBB1_1:
0x21: {  	p1 =	sge.u32 s10, s6  }
0x22: {  	s12 =	sand.u32 @!p1 $0x1FFFFFF, s9  }
0x23: {  	s13 =	smulhi.u32 @!p1 $0x147AE15, s12;
	_ =	sdelay $0x1  }
0x24: {  	s13 =	sshrl.u32 @!p1 s13, $0xE  }
0x25: {  	s13 =	smul.u32 @!p1 $0x320000, s13;
	_ =	sdelay $0x1  }
0x26: {  	s31 =	sadd.s32 $0xFFFFFFFF, s10;
	s14 =	sxor.u32 @!p1 $0xFFFFFFFF, s10;
	s12 =	ssub.s32 @!p1 s12, s13  }
0x27: {  	s15 =	simm.s32 @!p1 $0x80;
	s14 =	sshll.u32 @!p1 s14, $0xC;
	s12 =	sshll.u32 @!p1 s12, $0x4  }
0x28: {  	s13 =	sand.u32 @!p1 $0x1000, s14;
	s14 =	simm.s32 @!p1 $0x20;
	s12 =	sadd.s32 @!p1 s4, s12  }
0x29: {  	[tilespmem:s13], [sflag:$0x1] =	stream.strided.gather @!p1 [hbm4b:s12+s14], $0x1000, s15, s14, $0x38;
	[tilespmem:$0x4040] =	vst v63  }
0x2a: {  	p1 =	sge.u32 s31, s6  }
.Ltmp2:
0x2b: {  	_ = 	snop;
	(pc) =	sbr.rel @p1 .LBB1_5-.Ltmp2, $1  }
0x2c: {  	_ =	sdelay $0x3  }
0x2d: {  	s12 =	simm.s32 $0x1  }
0x2e: {  	_ =	swait.ge [sflag:s5], $0x1000;
	s12 =	simm.s32 @!p0 $0x0  }
0x2f: {  	[sflag:s5] =	ssyncset.done $0x0;
	s13 =	sshll.u32 s12, $0xC  }
0x30: {  	[sflag:s5] =	ssyncadd.s32 $0xFFFFF000;
	s16 =	sor.u32 $0x10, s13  }
0x31: {  	s12 =	smul.u32 $0x4080, s12;
	v1 =	vld [tilespmem:s16+$0x0]  }
0x32: {  	s30 =	sand.u32 $0x1, s10;
	v0 =	vld [tilespmem:s16+$0xFFFFFFF0]  }
0x33: {  	s13 =	smul.u32 $0x4080, s30;
	s12 =	sshrl.u32 s12, $0x2  }
0x34: {  	s14 =	sor.u32 $0x2000, s12  }
0x35: {  	s31 =	sshrl.u32 s13, $0x2;
	s13 =	sadd.s32 $0x0, s14  }
0x36: {  	s15 =	simm.s32 $0x4;
	s16 =	sadd.s32 $0x20, s16;
	s12 =	sor.u32 $0x2000, s31;
	[tilespmem:s13+$0x810 ss:$0x81] =	vst.msk $0xffff, v1  }
.LBB1_3:
0x37: {  	v1 =	vld [tilespmem:s16+$0x0];
	p1 =	sne.s32 s15, $0x1FC;
	[tilespmem:s13+$0x0 ss:$0x81] =	vst.msk $0xffff, v0;
	s13 =	smov.u32 s15;
	s15 =	sadd.s32 $0x4, s15  }
.Ltmp3:
0x38: {  	v0 =	vld [tilespmem:s16+$0xFFFFFFF0];
	(pc) =	sbr.rel @p1 .LBB1_3-.Ltmp3, $4  }
0x39: {  	_ = 	snop  }
0x3a: {  	s13 =	sshra.s32 s13, $0x2  }
0x3b: {  	s13 =	sadd.s32 s13, s14  }
0x3c: {  	s16 =	sadd.s32 $0x20, s16;
	[tilespmem:s13+$0x810 ss:$0x81] =	vst.msk $0xffff, v1  }
.Ltmp4:
0x3d: {  	_ = 	snop;
	(pc) =	sbr.rel .LBB1_4-.Ltmp4, $1  }
0x3e: {  	_ =	sdelay $0x3  }
.LBB1_6:
0x3f: {  	_ =	sfence.sel $0x180000  }
0x40: {  	s2 =	simm.s32 $0x1;
	[bflag:$0x0] =	sbarrier.arrive $0xFFFF  }
0x41: {  	s31 =	simm.s32 $0x2;
	[sflag:s2] =	ssyncpa.u1 $0x1  }
0x42: {  	[sflag:s31] =	ssyncpa.u1 $0x1  }
0x43: {  	p0 =	sne.s32 s0, $0x0;
	_ =	strace $0x9000004A  }
0x44: {  	s0 =	sadd.s32 @!p0 $0x100000, s1;
	[bflag:$0x2] =	sbarrier.arrive $0xFFFF  }
0x45: {  	[sflag:s0] =	ssyncadd.tile.s32 @!p0 $0x1;
	_ =	shalt  }
.Lfunc_end1:
_tile_overlayer_lowered:
.L_overlay_start_2:
0x46: {  	(tag) =	ssettag $0x2  }
0x47: {  	s0 =	rddreg [dreg:$0x0];
	s2 =	stileid.u32  }
0x48: {  	s1 =	rddreg [dreg:$0x1];
	p0 =	sne.s32 s2, $0x0  }
0x49: {  	s3 =	rddreg [dreg:$0x2];
	[bflag:$0x3] =	sbarrier.arrive $0xFFFF;
	s2 =	simm.s32 @!p0 $0x1C01  }
0x4a: {  	[timem:s3], [sflag:s2] =	dma.local @!p0 [hbm:s0], s1  }
0x4b: {  	s0 =	simm.s32 @!p0 $0x1  }
0x4c: {  	_ =	swait.ge @!p0 [sflag:s0], s1  }
0x4d: {  	s1 =	ssub.s32 @!p0 $0x0, s1;
	[sflag:s0] =	ssyncset.done @!p0 $0x0  }
0x4e: {  	[sflag:s0] =	ssyncadd.s32 @!p0 s1  }
0x4f: {  	[bflag:$0x3] =	sbarrier.arrive $0xFFFF  }
0x50: {  	_ =	shalt  }

</sc_bundles>
